<compile_context>
chip_gen: v7x
topology: tpu7x:2x2x1
jax: 0.10.2.dev20260603
libtpu: 0.0.44.dev20260713+nightly
codegen_flags: <defaults>
</compile_context>

<pallas_src>
import functools

import jax
import jax.numpy as jnp
from jax import lax
from jax.experimental import pallas as pl
from jax.experimental.pallas import tpu as pltpu
from jax.experimental.pallas import tpu_sc as plsc

N_NODES = 10000
N_EDGES = 320000
D_FEAT = 128
D = 128
B = 64
ALPHA = 0.5
BETA = 0.5

NC = 2
NS = 16
NW = NC * NS
EDGES_PER_TILE = N_EDGES // NW
PAD_E = 248
EPT_P = EDGES_PER_TILE + PAD_E
AGG_WIN = 168
AGG_NWIN = EPT_P // AGG_WIN
DEG_WIN = 1464
DEG_NWIN = EPT_P // DEG_WIN
N_PAD = 10240
PAD_PER_TILE = N_PAD // NS


def _sc_mesh():
    return plsc.VectorSubcoreMesh(core_axis_name="c", subcore_axis_name="s",
                                  num_cores=NC, num_subcores=NS)


@functools.partial(
    pl.kernel,
    out_type=jax.ShapeDtypeStruct((NC, N_PAD), jnp.float32),
    mesh=_sc_mesh(),
    scratch_types=[
        pltpu.VMEM((DEG_WIN,), jnp.int32),
        pltpu.VMEM((DEG_WIN,), jnp.float32),
        pltpu.VMEM_SHARED((N_PAD,), jnp.float32),
        pltpu.SemaphoreType.DMA,
    ],
)
def _sc_deg(dst_hbm, ones_hbm, zeros_hbm, out_hbm, dst_v, ones_v, acc_sh, sem):
    cid = lax.axis_index("c")
    sid = lax.axis_index("s")
    wid = sid * NC + cid
    zbase = sid * PAD_PER_TILE
    pltpu.sync_copy(zeros_hbm.at[pl.ds(zbase, PAD_PER_TILE)],
                    acc_sh.at[pl.ds(zbase, PAD_PER_TILE)])
    pltpu.sync_copy(ones_hbm, ones_v)
    plsc.subcore_barrier()
    e_base = wid * EPT_P

    def body(w, _):
        off = e_base + w * DEG_WIN
        pltpu.sync_copy(dst_hbm.at[pl.ds(off, DEG_WIN)], dst_v)
        pltpu.sync_copy(ones_v, acc_sh.at[dst_v], add=True)
        return 0

    lax.fori_loop(0, DEG_NWIN, body, 0)
    plsc.subcore_barrier()
    pltpu.sync_copy(acc_sh.at[pl.ds(zbase, PAD_PER_TILE)],
                    out_hbm.at[cid, pl.ds(zbase, PAD_PER_TILE)])


@functools.partial(
    pl.kernel,
    out_type=jax.ShapeDtypeStruct((NC, N_PAD, D), jnp.float32),
    mesh=_sc_mesh(),
    scratch_types=[
        pltpu.VMEM((AGG_WIN,), jnp.int32),
        pltpu.VMEM((AGG_WIN,), jnp.int32),
        pltpu.VMEM((AGG_WIN,), jnp.int32),
        pltpu.VMEM((AGG_WIN,), jnp.int32),
        pltpu.VMEM((AGG_WIN, D), jnp.float32),
        pltpu.VMEM((AGG_WIN, D), jnp.float32),
        pltpu.VMEM_SHARED((N_PAD, D), jnp.float32),
        pltpu.SemaphoreType.DMA,
        pltpu.SemaphoreType.DMA,
        pltpu.SemaphoreType.DMA,
        pltpu.SemaphoreType.DMA,
        pltpu.SemaphoreType.DMA,
        pltpu.SemaphoreType.DMA,
    ],
)
def _sc_agg(g_hbm, src_hbm, dst_hbm, zrows_hbm, out_hbm,
            src0_v, dst0_v, src1_v, dst1_v, rows0_v, rows1_v, acc_sh,
            g0sem, g1sem, s0sem, s1sem, d0sem, d1sem):
    cid = lax.axis_index("c")
    sid = lax.axis_index("s")
    wid = sid * NC + cid
    rbase = sid * PAD_PER_TILE
    pltpu.sync_copy(zrows_hbm.at[pl.ds(rbase, PAD_PER_TILE)],
                    acc_sh.at[pl.ds(rbase, PAD_PER_TILE)])
    plsc.subcore_barrier()
    e_base = wid * EPT_P

    def eoff(w):
        return e_base + w * AGG_WIN

    pltpu.async_copy(dst_hbm.at[pl.ds(eoff(0), AGG_WIN)], dst0_v, d0sem)
    pltpu.sync_copy(src_hbm.at[pl.ds(eoff(0), AGG_WIN)], src0_v)
    pltpu.async_copy(g_hbm.at[src0_v], rows0_v, g0sem)
    pltpu.async_copy(src_hbm.at[pl.ds(eoff(1), AGG_WIN)], src1_v, s1sem)
    pltpu.async_copy(dst_hbm.at[pl.ds(eoff(1), AGG_WIN)], dst1_v, d1sem)

    def body(p, _):
        wa = 2 * p + 1
        pltpu.make_async_copy(src_hbm.at[pl.ds(eoff(wa), AGG_WIN)],
                              src1_v, s1sem).wait()
        pltpu.async_copy(g_hbm.at[src1_v], rows1_v, g1sem)
        pltpu.make_async_copy(g_hbm.at[src0_v], rows0_v, g0sem).wait()
        pltpu.make_async_copy(dst_hbm.at[pl.ds(eoff(wa - 1), AGG_WIN)],
                              dst0_v, d0sem).wait()
        pltpu.async_copy(src_hbm.at[pl.ds(eoff(wa + 1), AGG_WIN)],
                         src0_v, s0sem)
        pltpu.sync_copy(rows0_v, acc_sh.at[dst0_v], add=True)
        pltpu.async_copy(dst_hbm.at[pl.ds(eoff(wa + 1), AGG_WIN)],
                         dst0_v, d0sem)
        pltpu.make_async_copy(src_hbm.at[pl.ds(eoff(wa + 1), AGG_WIN)],
                              src0_v, s0sem).wait()
        pltpu.async_copy(g_hbm.at[src0_v], rows0_v, g0sem)
        pltpu.make_async_copy(g_hbm.at[src1_v], rows1_v, g1sem).wait()
        pltpu.make_async_copy(dst_hbm.at[pl.ds(eoff(wa), AGG_WIN)],
                              dst1_v, d1sem).wait()
        wnext = jnp.where(wa + 2 < AGG_NWIN, wa + 2, 0)
        pltpu.async_copy(src_hbm.at[pl.ds(eoff(wnext), AGG_WIN)],
                         src1_v, s1sem)
        pltpu.sync_copy(rows1_v, acc_sh.at[dst1_v], add=True)
        pltpu.async_copy(dst_hbm.at[pl.ds(eoff(wnext), AGG_WIN)],
                         dst1_v, d1sem)
        return 0

    lax.fori_loop(0, (AGG_NWIN - 1) // 2, body, 0)
    pltpu.make_async_copy(g_hbm.at[src0_v], rows0_v, g0sem).wait()
    pltpu.make_async_copy(dst_hbm.at[pl.ds(eoff(AGG_NWIN - 1), AGG_WIN)],
                          dst0_v, d0sem).wait()
    pltpu.sync_copy(rows0_v, acc_sh.at[dst0_v], add=True)
    pltpu.make_async_copy(src_hbm.at[pl.ds(eoff(0), AGG_WIN)],
                          src1_v, s1sem).wait()
    pltpu.make_async_copy(dst_hbm.at[pl.ds(eoff(0), AGG_WIN)],
                          dst1_v, d1sem).wait()
    plsc.subcore_barrier()
    pltpu.sync_copy(acc_sh.at[pl.ds(rbase, PAD_PER_TILE)],
                    out_hbm.at[cid, pl.ds(rbase, PAD_PER_TILE)])


def _tc_prep_body(x_ref, w_ref, deg_ref, g_ref, dis_ref):
    deg = deg_ref[0, :N_NODES] + deg_ref[1, :N_NODES] + 1.0
    dis = lax.rsqrt(deg)
    dis_ref[0, :] = dis
    h = jnp.dot(x_ref[...], w_ref[...], preferred_element_type=jnp.float32)
    g_ref[0:N_NODES, :] = h * dis[:, None]


def _tc_mid_body(acc_ref, g0_ref, dis_ref, b0_ref, w1_ref,
                 l1_ref, g1_ref):
    dis = dis_ref[0, :]
    agg = (acc_ref[0, :N_NODES, :] + acc_ref[1, :N_NODES, :]
           + g0_ref[:N_NODES, :])
    l1 = jnp.tanh(agg * dis[:, None] + b0_ref[...])
    l1_ref[...] = l1
    h1 = jnp.dot(l1, w1_ref[...], preferred_element_type=jnp.float32)
    g1_ref[0:N_NODES, :] = h1 * dis[:, None]


def _bce_terms(p, t):
    p = jnp.clip(p, 1e-7, 1.0 - 1e-7)
    return -jnp.mean(t * jnp.log(p) + (1.0 - t) * jnp.log(1.0 - p))


def _tc_head_body(acc_ref, g1_ref, dis_ref, b1_ref, l1_ref,
                  batch_ref, pf_ref, y_ref,
                  wenc_ref, benc_ref, wlin1_ref, blin1_ref, wlin2_ref,
                  blin2_ref, wlog1_ref, blog1_ref, wlog2_ref, blog2_ref,
                  logits_ref, loss_ref, acc_out_ref, l1o_ref, l2o_ref,
                  l3o_ref, hidden2_ref):
    dis = dis_ref[0, :]
    agg = (acc_ref[0, :N_NODES, :] + acc_ref[1, :N_NODES, :]
           + g1_ref[:N_NODES, :])
    l2 = jnp.tanh(agg * dis[:, None] + b1_ref[...])

    batch = batch_ref[0, :]
    brange = lax.broadcasted_iota(jnp.int32, (B, N_NODES), 0)
    idx = jnp.sum((batch[None, :] < brange).astype(jnp.int32), axis=1)
    node_iota = lax.broadcasted_iota(jnp.int32, (B, N_NODES), 1)
    onehot = (node_iota == idx[:, None]).astype(jnp.float32)
    sel1 = jnp.dot(onehot, l1_ref[...], preferred_element_type=jnp.float32)
    sel2 = jnp.dot(onehot, l2, preferred_element_type=jnp.float32)
    layer2 = jnp.concatenate([sel1, sel2], axis=1)

    hidden1 = jnp.tanh(
        jnp.dot(pf_ref[...], wenc_ref[...], preferred_element_type=jnp.float32)
        + benc_ref[...])
    hidden2 = jnp.dot(layer2, wlin1_ref[...],
                      preferred_element_type=jnp.float32) + blin1_ref[...]
    hidden2_ref[...] = hidden2
    hidden = jax.nn.relu(jnp.concatenate([hidden1, hidden2], axis=1))
    h1 = jax.nn.relu(hidden1)
    h2 = jax.nn.relu(hidden2)
    y = y_ref[0, :]
    logits1 = jax.nn.sigmoid(
        jnp.dot(h1, wlog1_ref[...], preferred_element_type=jnp.float32)
        + blog1_ref[...])[:, 0]
    logits2 = jax.nn.sigmoid(
        jnp.dot(h2, wlog2_ref[...], preferred_element_type=jnp.float32)
        + blog2_ref[...])[:, 0]
    logits = jax.nn.sigmoid(
        jnp.dot(hidden, wlin2_ref[...], preferred_element_type=jnp.float32)
        + blin2_ref[...])[:, 0]
    loss_1 = _bce_terms(logits1, y)
    loss_2 = _bce_terms(logits2, y)
    loss_3 = _bce_terms(logits, y)
    logits_ref[...] = logits.reshape(1, B)
    l1o_ref[...] = loss_1.reshape(1, 1)
    l2o_ref[...] = loss_2.reshape(1, 1)
    l3o_ref[...] = loss_3.reshape(1, 1)
    loss_ref[...] = (ALPHA * loss_1 + BETA * loss_2 + loss_3).reshape(1, 1)
    pred = (logits > 0.7).astype(jnp.float32)
    acc_out_ref[...] = jnp.mean((pred == y).astype(jnp.float32)).reshape(1, 1)


def kernel(x, edge_index, batch, pair_feature, y, W_gcn0, b_gcn0, W_gcn1,
           b_gcn1, W_enc, b_enc, W_lin1, b_lin1, W_lin2, b_lin2, W_log1,
           b_log1, W_log2, b_log2):
    src = edge_index[0].astype(jnp.int32)
    dst = edge_index[1].astype(jnp.int32)
    batch = batch.astype(jnp.int32)
    ones_win = jnp.ones((DEG_WIN,), jnp.float32)
    zeros_pad = jnp.zeros((N_PAD,), jnp.float32)
    zeros_rows = jnp.zeros((N_PAD, D), jnp.float32)

    pad_idx = (N_NODES + (jnp.arange(NW * PAD_E, dtype=jnp.int32)
                          % (N_PAD - N_NODES))).reshape(NW, PAD_E)
    src = jnp.concatenate([src.reshape(NW, EDGES_PER_TILE), pad_idx],
                          axis=1).reshape(-1)
    dst = jnp.concatenate([dst.reshape(NW, EDGES_PER_TILE), pad_idx],
                          axis=1).reshape(-1)

    degp = _sc_deg(dst, ones_win, zeros_pad)

    g0, dis = pl.pallas_call(
        _tc_prep_body,
        out_shape=[
            jax.ShapeDtypeStruct((N_PAD, D), jnp.float32),
            jax.ShapeDtypeStruct((1, N_NODES), jnp.float32),
        ],
    )(x, W_gcn0, degp)

    acc0 = _sc_agg(g0, src, dst, zeros_rows)

    l1, g1 = pl.pallas_call(
        _tc_mid_body,
        out_shape=[
            jax.ShapeDtypeStruct((N_NODES, D), jnp.float32),
            jax.ShapeDtypeStruct((N_PAD, D), jnp.float32),
        ],
    )(acc0, g0, dis, b_gcn0.reshape(1, D), W_gcn1)

    acc1 = _sc_agg(g1, src, dst, zeros_rows)

    outs = pl.pallas_call(
        _tc_head_body,
        out_shape=[
            jax.ShapeDtypeStruct((1, B), jnp.float32),
            jax.ShapeDtypeStruct((1, 1), jnp.float32),
            jax.ShapeDtypeStruct((1, 1), jnp.float32),
            jax.ShapeDtypeStruct((1, 1), jnp.float32),
            jax.ShapeDtypeStruct((1, 1), jnp.float32),
            jax.ShapeDtypeStruct((1, 1), jnp.float32),
            jax.ShapeDtypeStruct((B, D), jnp.float32),
        ],
    )(acc1, g1, dis, b_gcn1.reshape(1, D), l1,
      batch.reshape(1, N_NODES), pair_feature, y.reshape(1, B),
      W_enc, b_enc.reshape(1, -1), W_lin1, b_lin1.reshape(1, -1),
      W_lin2, b_lin2.reshape(1, -1), W_log1, b_log1.reshape(1, -1),
      W_log2, b_log2.reshape(1, -1))

    logits, loss, acc, loss_1, loss_2, loss_3, hidden2 = outs
    return (logits.reshape(B), loss.reshape(()), acc.reshape(()),
            loss_1.reshape(()), loss_2.reshape(()), loss_3.reshape(()),
            hidden2)

# --- scband reference (transcript-rebuilt; emitter-appended) ---
"""Pipeline reference for scband-net-37426345017367 (READ-ONLY COPY).

The authoritative reference and input builder live on the scoring server;
editing this copy changes nothing except your own understanding.
"""

import jax, jax.numpy as jnp
import numpy as np

N_NODES = 10000
N_EDGES = 320000
D_FEAT = 128
B = 64
INPUT_DIM1 = 512
D_MODEL = 100
HIDDEN = 128
LATENT = [128, 128]
ALPHA = 0.5
BETA = 0.5


def setup_inputs(seed: int = 0) -> dict:
    key = jax.random.key(seed)
    ks = jax.random.split(key, 20)
    inp = {}
    inp['x'] = jax.random.normal(ks[0], (N_NODES, D_FEAT), dtype=jnp.float32)
    inp['edge_index'] = jax.random.randint(ks[1], (2, N_EDGES), 0, N_NODES, dtype=jnp.int64)
    inp['batch'] = jnp.sort(jax.random.randint(ks[2], (N_NODES,), 0, B, dtype=jnp.int64))
    inp['pair_feature'] = jax.random.normal(ks[3], (B, INPUT_DIM1), dtype=jnp.float32)
    inp['y'] = jax.random.uniform(ks[4], (B,), dtype=jnp.float32)
    # parameters
    inp['W_gcn0'] = jax.random.normal(ks[5], (D_FEAT, LATENT[0]), dtype=jnp.float32) * (1.0 / np.sqrt(D_FEAT))
    inp['b_gcn0'] = jnp.zeros((LATENT[0],), dtype=jnp.float32)
    inp['W_gcn1'] = jax.random.normal(ks[6], (LATENT[0], LATENT[1]), dtype=jnp.float32) * (1.0 / np.sqrt(LATENT[0]))
    inp['b_gcn1'] = jnp.zeros((LATENT[1],), dtype=jnp.float32)
    inp['W_enc'] = jax.random.normal(ks[7], (INPUT_DIM1, D_MODEL), dtype=jnp.float32) * (1.0 / np.sqrt(INPUT_DIM1))
    inp['b_enc'] = jnp.zeros((D_MODEL,), dtype=jnp.float32)
    lat_sum = sum(LATENT)
    inp['W_lin1'] = jax.random.normal(ks[8], (lat_sum, HIDDEN), dtype=jnp.float32) * (1.0 / np.sqrt(lat_sum))
    inp['b_lin1'] = jnp.zeros((HIDDEN,), dtype=jnp.float32)
    inp['W_lin2'] = jax.random.normal(ks[9], (D_MODEL + HIDDEN, 1), dtype=jnp.float32) * (1.0 / np.sqrt(D_MODEL + HIDDEN))
    inp['b_lin2'] = jnp.zeros((1,), dtype=jnp.float32)
    inp['W_log1'] = jax.random.normal(ks[10], (D_MODEL, 1), dtype=jnp.float32) * (1.0 / np.sqrt(D_MODEL))
    inp['b_log1'] = jnp.zeros((1,), dtype=jnp.float32)
    inp['W_log2'] = jax.random.normal(ks[11], (HIDDEN, 1), dtype=jnp.float32) * (1.0 / np.sqrt(HIDDEN))
    inp['b_log2'] = jnp.zeros((1,), dtype=jnp.float32)
    return inp


def _gcn_conv(h, edge_index, W, b):
    # PyG GCNConv: x@W, add self-loops, D^-1/2 (A+I) D^-1/2 aggregation, + bias
    N = h.shape[0]
    src = edge_index[0]
    dst = edge_index[1]
    loop = jnp.arange(N, dtype=src.dtype)
    s = jnp.concatenate([src, loop])
    d = jnp.concatenate([dst, loop])
    h = h @ W
    deg = jnp.zeros((N,), dtype=h.dtype).at[d].add(1.0)
    dis = jnp.where(deg > 0, deg ** -0.5, 0.0)
    coef = dis[s] * dis[d]
    out = jnp.zeros((N, h.shape[1]), dtype=h.dtype).at[d].add(coef[:, None] * h[s])
    return out + b


def _bce(p, t):
    p = jnp.clip(p, 1e-7, 1.0 - 1e-7)
    return -jnp.mean(t * jnp.log(p) + (1.0 - t) * jnp.log(1.0 - p))


def reference(x, edge_index, batch, pair_feature, y,
              W_gcn0, b_gcn0, W_gcn1, b_gcn1, W_enc, b_enc,
              W_lin1, b_lin1, W_lin2, b_lin2,
              W_log1, b_log1, W_log2, b_log2):
    # Expression encoder (source Expression_Encoder undefined; linear->tanh projection to d_model)
    hidden1 = jnp.tanh(pair_feature @ W_enc + b_enc)
    # Line graph GCN stack (eval mode: dropout is identity)
    l = x
    cats = []
    l = jnp.tanh(_gcn_conv(l, edge_index, W_gcn0, b_gcn0))
    cats.append(l)
    l = jnp.tanh(_gcn_conv(l, edge_index, W_gcn1, b_gcn1))
    cats.append(l)
    layer2 = jnp.concatenate(cats, axis=1)
    # first node of each graph (batch is sorted)
    idx = jnp.searchsorted(batch, jnp.arange(B, dtype=batch.dtype))
    layer2 = layer2[idx, :]
    hidden2 = layer2 @ W_lin1 + b_lin1
    hidden = jnp.concatenate([hidden1, hidden2], axis=1)
    hidden = jax.nn.relu(hidden)
    h1 = jax.nn.relu(hidden1)
    logits1 = jax.nn.sigmoid(h1 @ W_log1 + b_log1).squeeze(1)
    h2 = jax.nn.relu(hidden2)
    logits2 = jax.nn.sigmoid(h2 @ W_log2 + b_log2).squeeze(1)
    logits = jax.nn.sigmoid(hidden @ W_lin2 + b_lin2).squeeze(1)
    loss_1 = _bce(logits1, y)
    loss_2 = _bce(logits2, y)
    loss_3 = _bce(logits, y)
    loss = ALPHA * loss_1 + BETA * loss_2 + loss_3
    pred = logits > 0.7
    acc = jnp.mean((pred.astype(jnp.float32) == y).astype(jnp.float32))
    return (logits, loss, acc, loss_1, loss_2, loss_3, hidden2)

if __name__ == "__main__":
    import jax
    _d = setup_inputs()
    print(jax.jit(kernel)(*tuple(_d.values())))

</pallas_src>

<mosaic_0001>
#map = affine_map<(d0, d1) -> (0)>
#map1 = affine_map<(d0, d1) -> (0, 0)>
module attributes {stable_mosaic.version = 14 : i64} {
  func.func @_sc_deg(%arg0: i32, %arg1: i32, %arg2: memref<327936xi32, #tpu.memory_space<hbm>>, %arg3: memref<1464xf32, #tpu.memory_space<hbm>>, %arg4: memref<10240xf32, #tpu.memory_space<hbm>>, %arg5: memref<2x10240xf32, #tpu.memory_space<hbm>>, %arg6: memref<1464xi32, #tpu.memory_space<vmem>>, %arg7: memref<1464xf32, #tpu.memory_space<vmem>>, %arg8: memref<10240xf32, #tpu.memory_space<vmem_shared>>, %arg9: memref<!tpu.dma_semaphore, #tpu.memory_space<semaphore_mem>>) attributes {dimension_semantics = [#tpu.dimension_semantics<core_parallel>, #tpu.dimension_semantics<subcore_parallel>], iteration_bounds = array<i64: 2, 16>, scalar_prefetch = 0 : i64, scratch_operands = 4 : i64, tpu.core_type = #tpu.core_type<sc_vector_subcore>, window_params = [{transform_indices = #map}, {transform_indices = #map}, {transform_indices = #map}, {transform_indices = #map1}]} {
    %mul3A = arith.constant 2 : i32
    %mul3A_0 = arith.muli %arg1, %mul3A : i32
    %add3A = arith.addi %mul3A_0, %arg0 : i32
    %mul3A_1 = arith.constant 640 : i32
    %mul3A_2 = arith.muli %arg1, %mul3A_1 : i32
    "tpu.region"() ({
      %run_scoped3A = tpu.sem_alloc : memref<!tpu.dma_semaphore, #tpu.memory_space<semaphore_mem>>
      %dma_start3A = tpu.memref_slice %arg8[%mul3A_2] : memref<10240xf32, #tpu.memory_space<vmem_shared>> -> memref<640xf32, #tpu.memory_space<vmem_shared>>
      %dma_start3A_12 = tpu.memref_slice %arg4[%mul3A_2] : memref<10240xf32, #tpu.memory_space<hbm>> -> memref<640xf32, #tpu.memory_space<hbm>>
      tpu.enqueue_dma source(%dma_start3A_12 : memref<640xf32, #tpu.memory_space<hbm>>) target(%dma_start3A : memref<640xf32, #tpu.memory_space<vmem_shared>>) target_semaphore(%run_scoped3A : memref<!tpu.dma_semaphore, #tpu.memory_space<semaphore_mem>>)
      %dma_wait3A = tpu.memref_slice %arg8[%mul3A_2] : memref<10240xf32, #tpu.memory_space<vmem_shared>> -> memref<640xf32, #tpu.memory_space<vmem_shared>>
      %dma_wait3A_13 = tpu.memref_slice %arg4[%mul3A_2] : memref<10240xf32, #tpu.memory_space<hbm>> -> memref<640xf32, #tpu.memory_space<hbm>>
      tpu.wait_dma2 semaphore(%run_scoped3A : memref<!tpu.dma_semaphore, #tpu.memory_space<semaphore_mem>>) src(%dma_wait3A_13 : memref<640xf32, #tpu.memory_space<hbm>>) dst(%dma_wait3A : memref<640xf32, #tpu.memory_space<vmem_shared>>)
      tpu.yield
    }) : () -> ()
    "tpu.region"() ({
      %run_scoped3A = tpu.sem_alloc : memref<!tpu.dma_semaphore, #tpu.memory_space<semaphore_mem>>
      tpu.enqueue_dma source(%arg3 : memref<1464xf32, #tpu.memory_space<hbm>>) target(%arg7 : memref<1464xf32, #tpu.memory_space<vmem>>) target_semaphore(%run_scoped3A : memref<!tpu.dma_semaphore, #tpu.memory_space<semaphore_mem>>)
      tpu.wait_dma2 semaphore(%run_scoped3A : memref<!tpu.dma_semaphore, #tpu.memory_space<semaphore_mem>>) src(%arg3 : memref<1464xf32, #tpu.memory_space<hbm>>) dst(%arg7 : memref<1464xf32, #tpu.memory_space<vmem>>)
      tpu.yield
    }) : () -> ()
    %barrier3A = arith.constant 0 : index
    tpu.barrier barrier_id(%barrier3A)
    %mul3A_3 = arith.constant 10248 : i32
    %mul3A_4 = arith.muli %add3A, %mul3A_3 : i32
    %scan3A = arith.constant 0 : i32
    %scan3A_5 = arith.constant 0 : i32
    %scan3A_6 = arith.constant 7 : i32
    %scan3A_7 = arith.addi %scan3A_5, %scan3A_6 : i32
    %scan3A_8 = arith.constant 1 : i32
    %scan3A_9 = scf.for %scan3A_12 = %scan3A_5 to %scan3A_7 step %scan3A_8 iter_args(%scan3A_13 = %scan3A) -> (i32)  : i32 {
      %mul3A_14 = arith.constant 1464 : i32
      %mul3A_15 = arith.muli %scan3A_12, %mul3A_14 : i32
      %add3A_16 = arith.addi %mul3A_4, %mul3A_15 : i32
      "tpu.region"() ({
        %run_scoped3A = tpu.sem_alloc : memref<!tpu.dma_semaphore, #tpu.memory_space<semaphore_mem>>
        %dma_start3A = tpu.memref_slice %arg2[%add3A_16] : memref<327936xi32, #tpu.memory_space<hbm>> -> memref<1464xi32, #tpu.memory_space<hbm>>
        %dma_start3A_18 = tpu.memref_slice %arg2[%add3A_16] : memref<327936xi32, #tpu.memory_space<hbm>> -> memref<1464xi32, #tpu.memory_space<hbm>>
        tpu.enqueue_dma source(%dma_start3A_18 : memref<1464xi32, #tpu.memory_space<hbm>>) target(%arg6 : memref<1464xi32, #tpu.memory_space<vmem>>) target_semaphore(%run_scoped3A : memref<!tpu.dma_semaphore, #tpu.memory_space<semaphore_mem>>)
        %dma_wait3A = tpu.memref_slice %arg2[%add3A_16] : memref<327936xi32, #tpu.memory_space<hbm>> -> memref<1464xi32, #tpu.memory_space<hbm>>
        %dma_wait3A_19 = tpu.memref_slice %arg2[%add3A_16] : memref<327936xi32, #tpu.memory_space<hbm>> -> memref<1464xi32, #tpu.memory_space<hbm>>
        tpu.wait_dma2 semaphore(%run_scoped3A : memref<!tpu.dma_semaphore, #tpu.memory_space<semaphore_mem>>) src(%dma_wait3A_19 : memref<1464xi32, #tpu.memory_space<hbm>>) dst(%arg6 : memref<1464xi32, #tpu.memory_space<vmem>>)
        tpu.yield
      }) : () -> ()
      "tpu.region"() ({
        %run_scoped3A = tpu.sem_alloc : memref<!tpu.dma_semaphore, #tpu.memory_space<semaphore_mem>>
        %dma_start3A = arith.constant 0 : i32
        %dma_start3A_18 = tpu.memref_slice %arg8[%dma_start3A] : memref<10240xf32, #tpu.memory_space<vmem_shared>> -> memref<10240xf32, #tpu.memory_space<vmem_shared>>
        tpu.enqueue_indirect_dma source(%arg7 : memref<1464xf32, #tpu.memory_space<vmem>>) target(%dma_start3A_18 : memref<10240xf32, #tpu.memory_space<vmem_shared>>) offsets(%arg6 : memref<1464xi32, #tpu.memory_space<vmem>>) semaphore(%run_scoped3A : memref<!tpu.dma_semaphore, #tpu.memory_space<semaphore_mem>>) {add = true}
        %dma_wait3A = arith.constant 0 : i32
        %dma_wait3A_19 = tpu.memref_slice %arg8[%dma_wait3A] : memref<10240xf32, #tpu.memory_space<vmem_shared>> -> memref<10240xf32, #tpu.memory_space<vmem_shared>>
        tpu.wait_indirect_dma semaphore(%run_scoped3A : memref<!tpu.dma_semaphore, #tpu.memory_space<semaphore_mem>>) src(%arg7 : memref<1464xf32, #tpu.memory_space<vmem>>) dst(%dma_wait3A_19 : memref<10240xf32, #tpu.memory_space<vmem_shared>>)
        tpu.yield
      }) : () -> ()
      %scan3A_17 = arith.constant 0 : i32
      scf.yield %scan3A_17 : i32
    }
    %scan3A_10 = arith.constant 7 : i32
    %barrier3A_11 = arith.constant 0 : index
    tpu.barrier barrier_id(%barrier3A_11)
    "tpu.region"() ({
      %run_scoped3A = tpu.sem_alloc : memref<!tpu.dma_semaphore, #tpu.memory_space<semaphore_mem>>
      %dma_start3A = tpu.memref_slice %arg5[%arg0, %mul3A_2] : memref<2x10240xf32, #tpu.memory_space<hbm>> -> memref<1x640xf32, #tpu.memory_space<hbm>>
      %dma_start3A_12 = tpu.memref_squeeze %dma_start3A : memref<1x640xf32, #tpu.memory_space<hbm>> -> memref<640xf32, #tpu.memory_space<hbm>>
      %dma_start3A_13 = tpu.memref_slice %arg8[%mul3A_2] : memref<10240xf32, #tpu.memory_space<vmem_shared>> -> memref<640xf32, #tpu.memory_space<vmem_shared>>
      tpu.enqueue_dma source(%dma_start3A_13 : memref<640xf32, #tpu.memory_space<vmem_shared>>) target(%dma_start3A_12 : memref<640xf32, #tpu.memory_space<hbm>>) target_semaphore(%run_scoped3A : memref<!tpu.dma_semaphore, #tpu.memory_space<semaphore_mem>>)
      %dma_wait3A = tpu.memref_slice %arg5[%arg0, %mul3A_2] : memref<2x10240xf32, #tpu.memory_space<hbm>> -> memref<1x640xf32, #tpu.memory_space<hbm>>
      %dma_wait3A_14 = tpu.memref_squeeze %dma_wait3A : memref<1x640xf32, #tpu.memory_space<hbm>> -> memref<640xf32, #tpu.memory_space<hbm>>
      %dma_wait3A_15 = tpu.memref_slice %arg8[%mul3A_2] : memref<10240xf32, #tpu.memory_space<vmem_shared>> -> memref<640xf32, #tpu.memory_space<vmem_shared>>
      tpu.wait_dma2 semaphore(%run_scoped3A : memref<!tpu.dma_semaphore, #tpu.memory_space<semaphore_mem>>) src(%dma_wait3A_15 : memref<640xf32, #tpu.memory_space<vmem_shared>>) dst(%dma_wait3A_14 : memref<640xf32, #tpu.memory_space<hbm>>)
      tpu.yield
    }) : () -> ()
    return
  }
}

#map = affine_map<(d0, d1) -> (0, 0)>
#map1 = affine_map<(d0, d1) -> (0)>
#map2 = affine_map<(d0, d1) -> (0, 0, 0)>
module attributes {stable_mosaic.version = 14 : i64} {
  func.func @_sc_agg(%arg0: i32, %arg1: i32, %arg2: memref<10240x128xf32, #tpu.memory_space<hbm>>, %arg3: memref<327936xi32, #tpu.memory_space<hbm>>, %arg4: memref<327936xi32, #tpu.memory_space<hbm>>, %arg5: memref<10240x128xf32, #tpu.memory_space<hbm>>, %arg6: memref<2x10240x128xf32, #tpu.memory_space<hbm>>, %arg7: memref<168xi32, #tpu.memory_space<vmem>>, %arg8: memref<168xi32, #tpu.memory_space<vmem>>, %arg9: memref<168xi32, #tpu.memory_space<vmem>>, %arg10: memref<168xi32, #tpu.memory_space<vmem>>, %arg11: memref<168x128xf32, #tpu.memory_space<vmem>>, %arg12: memref<168x128xf32, #tpu.memory_space<vmem>>, %arg13: memref<10240x128xf32, #tpu.memory_space<vmem_shared>>, %arg14: memref<!tpu.dma_semaphore, #tpu.memory_space<semaphore_mem>>, %arg15: memref<!tpu.dma_semaphore, #tpu.memory_space<semaphore_mem>>, %arg16: memref<!tpu.dma_semaphore, #tpu.memory_space<semaphore_mem>>, %arg17: memref<!tpu.dma_semaphore, #tpu.memory_space<semaphore_mem>>, %arg18: memref<!tpu.dma_semaphore, #tpu.memory_space<semaphore_mem>>, %arg19: memref<!tpu.dma_semaphore, #tpu.memory_space<semaphore_mem>>) attributes {dimension_semantics = [#tpu.dimension_semantics<core_parallel>, #tpu.dimension_semantics<subcore_parallel>], iteration_bounds = array<i64: 2, 16>, scalar_prefetch = 0 : i64, scratch_operands = 13 : i64, tpu.core_type = #tpu.core_type<sc_vector_subcore>, window_params = [{transform_indices = #map}, {transform_indices = #map1}, {transform_indices = #map1}, {transform_indices = #map}, {transform_indices = #map2}]} {
    %mul3A = arith.constant 2 : i32
    %mul3A_0 = arith.muli %arg1, %mul3A : i32
    %add3A = arith.addi %mul3A_0, %arg0 : i32
    %mul3A_1 = arith.constant 640 : i32
    %mul3A_2 = arith.muli %arg1, %mul3A_1 : i32
    "tpu.region"() ({
      %run_scoped3A = tpu.sem_alloc : memref<!tpu.dma_semaphore, #tpu.memory_space<semaphore_mem>>
      %dma_start3A_42 = arith.constant 0 : i32
      %dma_start3A_43 = tpu.memref_slice %arg13[%mul3A_2, %dma_start3A_42] : memref<10240x128xf32, #tpu.memory_space<vmem_shared>> -> memref<640x128xf32, #tpu.memory_space<vmem_shared>>
      %dma_start3A_44 = arith.constant 0 : i32
      %dma_start3A_45 = tpu.memref_slice %arg5[%mul3A_2, %dma_start3A_44] : memref<10240x128xf32, #tpu.memory_space<hbm>> -> memref<640x128xf32, #tpu.memory_space<hbm>>
      tpu.enqueue_dma source(%dma_start3A_45 : memref<640x128xf32, #tpu.memory_space<hbm>>) target(%dma_start3A_43 : memref<640x128xf32, #tpu.memory_space<vmem_shared>>) target_semaphore(%run_scoped3A : memref<!tpu.dma_semaphore, #tpu.memory_space<semaphore_mem>>)
      %dma_wait3A_46 = arith.constant 0 : i32
      %dma_wait3A_47 = tpu.memref_slice %arg13[%mul3A_2, %dma_wait3A_46] : memref<10240x128xf32, #tpu.memory_space<vmem_shared>> -> memref<640x128xf32, #tpu.memory_space<vmem_shared>>
      %dma_wait3A_48 = arith.constant 0 : i32
      %dma_wait3A_49 = tpu.memref_slice %arg5[%mul3A_2, %dma_wait3A_48] : memref<10240x128xf32, #tpu.memory_space<hbm>> -> memref<640x128xf32, #tpu.memory_space<hbm>>
      tpu.wait_dma2 semaphore(%run_scoped3A : memref<!tpu.dma_semaphore, #tpu.memory_space<semaphore_mem>>) src(%dma_wait3A_49 : memref<640x128xf32, #tpu.memory_space<hbm>>) dst(%dma_wait3A_47 : memref<640x128xf32, #tpu.memory_space<vmem_shared>>)
      tpu.yield
    }) : () -> ()
    %barrier3A = arith.constant 0 : index
    tpu.barrier barrier_id(%barrier3A)
    %mul3A_3 = arith.constant 10248 : i32
    %mul3A_4 = arith.muli %add3A, %mul3A_3 : i32
    %add3A_5 = arith.constant 0 : i32
    %add3A_6 = arith.addi %mul3A_4, %add3A_5 : i32
    %dma_start3A = tpu.memref_slice %arg4[%add3A_6] : memref<327936xi32, #tpu.memory_space<hbm>> -> memref<168xi32, #tpu.memory_space<hbm>>
    %dma_start3A_7 = tpu.memref_slice %arg4[%add3A_6] : memref<327936xi32, #tpu.memory_space<hbm>> -> memref<168xi32, #tpu.memory_space<hbm>>
    tpu.enqueue_dma source(%dma_start3A_7 : memref<168xi32, #tpu.memory_space<hbm>>) target(%arg8 : memref<168xi32, #tpu.memory_space<vmem>>) target_semaphore(%arg18 : memref<!tpu.dma_semaphore, #tpu.memory_space<semaphore_mem>>)
    %add3A_8 = arith.constant 0 : i32
    %add3A_9 = arith.addi %mul3A_4, %add3A_8 : i32
    "tpu.region"() ({
      %run_scoped3A = tpu.sem_alloc : memref<!tpu.dma_semaphore, #tpu.memory_space<semaphore_mem>>
      %dma_start3A_42 = tpu.memref_slice %arg3[%add3A_9] : memref<327936xi32, #tpu.memory_space<hbm>> -> memref<168xi32, #tpu.memory_space<hbm>>
      %dma_start3A_43 = tpu.memref_slice %arg3[%add3A_9] : memref<327936xi32, #tpu.memory_space<hbm>> -> memref<168xi32, #tpu.memory_space<hbm>>
      tpu.enqueue_dma source(%dma_start3A_43 : memref<168xi32, #tpu.memory_space<hbm>>) target(%arg7 : memref<168xi32, #tpu.memory_space<vmem>>) target_semaphore(%run_scoped3A : memref<!tpu.dma_semaphore, #tpu.memory_space<semaphore_mem>>)
      %dma_wait3A_44 = tpu.memref_slice %arg3[%add3A_9] : memref<327936xi32, #tpu.memory_space<hbm>> -> memref<168xi32, #tpu.memory_space<hbm>>
      %dma_wait3A_45 = tpu.memref_slice %arg3[%add3A_9] : memref<327936xi32, #tpu.memory_space<hbm>> -> memref<168xi32, #tpu.memory_space<hbm>>
      tpu.wait_dma2 semaphore(%run_scoped3A : memref<!tpu.dma_semaphore, #tpu.memory_space<semaphore_mem>>) src(%dma_wait3A_45 : memref<168xi32, #tpu.memory_space<hbm>>) dst(%arg7 : memref<168xi32, #tpu.memory_space<vmem>>)
      tpu.yield
    }) : () -> ()
    %dma_start3A_10 = arith.constant 0 : i32
    %dma_start3A_11 = arith.constant 0 : i32
    %dma_start3A_12 = tpu.memref_slice %arg2[%dma_start3A_10, %dma_start3A_11] : memref<10240x128xf32, #tpu.memory_space<hbm>> -> memref<10240x128xf32, #tpu.memory_space<hbm>>
    tpu.enqueue_indirect_dma source(%dma_start3A_12 : memref<10240x128xf32, #tpu.memory_space<hbm>>) target(%arg11 : memref<168x128xf32, #tpu.memory_space<vmem>>) offsets(%arg7 : memref<168xi32, #tpu.memory_space<vmem>>) semaphore(%arg14 : memref<!tpu.dma_semaphore, #tpu.memory_space<semaphore_mem>>)
    %add3A_13 = arith.constant 168 : i32
    %add3A_14 = arith.addi %mul3A_4, %add3A_13 : i32
    %dma_start3A_15 = tpu.memref_slice %arg3[%add3A_14] : memref<327936xi32, #tpu.memory_space<hbm>> -> memref<168xi32, #tpu.memory_space<hbm>>
    %dma_start3A_16 = tpu.memref_slice %arg3[%add3A_14] : memref<327936xi32, #tpu.memory_space<hbm>> -> memref<168xi32, #tpu.memory_space<hbm>>
    tpu.enqueue_dma source(%dma_start3A_16 : memref<168xi32, #tpu.memory_space<hbm>>) target(%arg9 : memref<168xi32, #tpu.memory_space<vmem>>) target_semaphore(%arg17 : memref<!tpu.dma_semaphore, #tpu.memory_space<semaphore_mem>>)
    %add3A_17 = arith.constant 168 : i32
    %add3A_18 = arith.addi %mul3A_4, %add3A_17 : i32
    %dma_start3A_19 = tpu.memref_slice %arg4[%add3A_18] : memref<327936xi32, #tpu.memory_space<hbm>> -> memref<168xi32, #tpu.memory_space<hbm>>
    %dma_start3A_20 = tpu.memref_slice %arg4[%add3A_18] : memref<327936xi32, #tpu.memory_space<hbm>> -> memref<168xi32, #tpu.memory_space<hbm>>
    tpu.enqueue_dma source(%dma_start3A_20 : memref<168xi32, #tpu.memory_space<hbm>>) target(%arg10 : memref<168xi32, #tpu.memory_space<vmem>>) target_semaphore(%arg19 : memref<!tpu.dma_semaphore, #tpu.memory_space<semaphore_mem>>)
    %scan3A = arith.constant 0 : i32
    %scan3A_21 = arith.constant 0 : i32
    %scan3A_22 = arith.constant 30 : i32
    %scan3A_23 = arith.addi %scan3A_21, %scan3A_22 : i32
    %scan3A_24 = arith.constant 1 : i32
    %scan3A_25 = scf.for %scan3A_42 = %scan3A_21 to %scan3A_23 step %scan3A_24 iter_args(%scan3A_43 = %scan3A) -> (i32)  : i32 {
      %mul3A_44 = arith.constant 2 : i32
      %mul3A_45 = arith.muli %mul3A_44, %scan3A_42 : i32
      %add3A_46 = arith.constant 1 : i32
      %add3A_47 = arith.addi %mul3A_45, %add3A_46 : i32
      %mul3A_48 = arith.constant 168 : i32
      %mul3A_49 = arith.muli %add3A_47, %mul3A_48 : i32
      %add3A_50 = arith.addi %mul3A_4, %mul3A_49 : i32
      %dma_wait3A_51 = tpu.memref_slice %arg3[%add3A_50] : memref<327936xi32, #tpu.memory_space<hbm>> -> memref<168xi32, #tpu.memory_space<hbm>>
      %dma_wait3A_52 = tpu.memref_slice %arg3[%add3A_50] : memref<327936xi32, #tpu.memory_space<hbm>> -> memref<168xi32, #tpu.memory_space<hbm>>
      tpu.wait_dma2 semaphore(%arg17 : memref<!tpu.dma_semaphore, #tpu.memory_space<semaphore_mem>>) src(%dma_wait3A_52 : memref<168xi32, #tpu.memory_space<hbm>>) dst(%arg9 : memref<168xi32, #tpu.memory_space<vmem>>)
      %dma_start3A_53 = arith.constant 0 : i32
      %dma_start3A_54 = arith.constant 0 : i32
      %dma_start3A_55 = tpu.memref_slice %arg2[%dma_start3A_53, %dma_start3A_54] : memref<10240x128xf32, #tpu.memory_space<hbm>> -> memref<10240x128xf32, #tpu.memory_space<hbm>>
      tpu.enqueue_indirect_dma source(%dma_start3A_55 : memref<10240x128xf32, #tpu.memory_space<hbm>>) target(%arg12 : memref<168x128xf32, #tpu.memory_space<vmem>>) offsets(%arg9 : memref<168xi32, #tpu.memory_space<vmem>>) semaphore(%arg15 : memref<!tpu.dma_semaphore, #tpu.memory_space<semaphore_mem>>)
      %dma_wait3A_56 = arith.constant 0 : i32
      %dma_wait3A_57 = arith.constant 0 : i32
      %dma_wait3A_58 = tpu.memref_slice %arg2[%dma_wait3A_56, %dma_wait3A_57] : memref<10240x128xf32, #tpu.memory_space<hbm>> -> memref<10240x128xf32, #tpu.memory_space<hbm>>
      tpu.wait_indirect_dma semaphore(%arg14 : memref<!tpu.dma_semaphore, #tpu.memory_space<semaphore_mem>>) src(%dma_wait3A_58 : memref<10240x128xf32, #tpu.memory_space<hbm>>) dst(%arg11 : memref<168x128xf32, #tpu.memory_space<vmem>>)
      %sub3A = arith.constant 1 : i32
      %sub3A_59 = arith.subi %add3A_47, %sub3A : i32
      %mul3A_60 = arith.constant 168 : i32
      %mul3A_61 = arith.muli %sub3A_59, %mul3A_60 : i32
      %add3A_62 = arith.addi %mul3A_4, %mul3A_61 : i32
      %dma_wait3A_63 = tpu.memref_slice %arg4[%add3A_62] : memref<327936xi32, #tpu.memory_space<hbm>> -> memref<168xi32, #tpu.memory_space<hbm>>
      %dma_wait3A_64 = tpu.memref_slice %arg4[%add3A_62] : memref<327936xi32, #tpu.memory_space<hbm>> -> memref<168xi32, #tpu.memory_space<hbm>>
      tpu.wait_dma2 semaphore(%arg18 : memref<!tpu.dma_semaphore, #tpu.memory_space<semaphore_mem>>) src(%dma_wait3A_64 : memref<168xi32, #tpu.memory_space<hbm>>) dst(%arg8 : memref<168xi32, #tpu.memory_space<vmem>>)
      %add3A_65 = arith.constant 1 : i32
      %add3A_66 = arith.addi %add3A_47, %add3A_65 : i32
      %mul3A_67 = arith.constant 168 : i32
      %mul3A_68 = arith.muli %add3A_66, %mul3A_67 : i32
      %add3A_69 = arith.addi %mul3A_4, %mul3A_68 : i32
      %dma_start3A_70 = tpu.memref_slice %arg3[%add3A_69] : memref<327936xi32, #tpu.memory_space<hbm>> -> memref<168xi32, #tpu.memory_space<hbm>>
      %dma_start3A_71 = tpu.memref_slice %arg3[%add3A_69] : memref<327936xi32, #tpu.memory_space<hbm>> -> memref<168xi32, #tpu.memory_space<hbm>>
      tpu.enqueue_dma source(%dma_start3A_71 : memref<168xi32, #tpu.memory_space<hbm>>) target(%arg7 : memref<168xi32, #tpu.memory_space<vmem>>) target_semaphore(%arg16 : memref<!tpu.dma_semaphore, #tpu.memory_space<semaphore_mem>>)
      "tpu.region"() ({
        %run_scoped3A = tpu.sem_alloc : memref<!tpu.dma_semaphore, #tpu.memory_space<semaphore_mem>>
        %dma_start3A_113 = arith.constant 0 : i32
        %dma_start3A_114 = arith.constant 0 : i32
        %dma_start3A_115 = tpu.memref_slice %arg13[%dma_start3A_113, %dma_start3A_114] : memref<10240x128xf32, #tpu.memory_space<vmem_shared>> -> memref<10240x128xf32, #tpu.memory_space<vmem_shared>>
        tpu.enqueue_indirect_dma source(%arg11 : memref<168x128xf32, #tpu.memory_space<vmem>>) target(%dma_start3A_115 : memref<10240x128xf32, #tpu.memory_space<vmem_shared>>) offsets(%arg8 : memref<168xi32, #tpu.memory_space<vmem>>) semaphore(%run_scoped3A : memref<!tpu.dma_semaphore, #tpu.memory_space<semaphore_mem>>) {add = true}
        %dma_wait3A_116 = arith.constant 0 : i32
        %dma_wait3A_117 = arith.constant 0 : i32
        %dma_wait3A_118 = tpu.memref_slice %arg13[%dma_wait3A_116, %dma_wait3A_117] : memref<10240x128xf32, #tpu.memory_space<vmem_shared>> -> memref<10240x128xf32, #tpu.memory_space<vmem_shared>>
        tpu.wait_indirect_dma semaphore(%run_scoped3A : memref<!tpu.dma_semaphore, #tpu.memory_space<semaphore_mem>>) src(%arg11 : memref<168x128xf32, #tpu.memory_space<vmem>>) dst(%dma_wait3A_118 : memref<10240x128xf32, #tpu.memory_space<vmem_shared>>)
        tpu.yield
      }) : () -> ()
      %add3A_72 = arith.constant 1 : i32
      %add3A_73 = arith.addi %add3A_47, %add3A_72 : i32
      %mul3A_74 = arith.constant 168 : i32
      %mul3A_75 = arith.muli %add3A_73, %mul3A_74 : i32
      %add3A_76 = arith.addi %mul3A_4, %mul3A_75 : i32
      %dma_start3A_77 = tpu.memref_slice %arg4[%add3A_76] : memref<327936xi32, #tpu.memory_space<hbm>> -> memref<168xi32, #tpu.memory_space<hbm>>
      %dma_start3A_78 = tpu.memref_slice %arg4[%add3A_76] : memref<327936xi32, #tpu.memory_space<hbm>> -> memref<168xi32, #tpu.memory_space<hbm>>
      tpu.enqueue_dma source(%dma_start3A_78 : memref<168xi32, #tpu.memory_space<hbm>>) target(%arg8 : memref<168xi32, #tpu.memory_space<vmem>>) target_semaphore(%arg18 : memref<!tpu.dma_semaphore, #tpu.memory_space<semaphore_mem>>)
      %add3A_79 = arith.constant 1 : i32
      %add3A_80 = arith.addi %add3A_47, %add3A_79 : i32
      %mul3A_81 = arith.constant 168 : i32
      %mul3A_82 = arith.muli %add3A_80, %mul3A_81 : i32
      %add3A_83 = arith.addi %mul3A_4, %mul3A_82 : i32
      %dma_wait3A_84 = tpu.memref_slice %arg3[%add3A_83] : memref<327936xi32, #tpu.memory_space<hbm>> -> memref<168xi32, #tpu.memory_space<hbm>>
      %dma_wait3A_85 = tpu.memref_slice %arg3[%add3A_83] : memref<327936xi32, #tpu.memory_space<hbm>> -> memref<168xi32, #tpu.memory_space<hbm>>
      tpu.wait_dma2 semaphore(%arg16 : memref<!tpu.dma_semaphore, #tpu.memory_space<semaphore_mem>>) src(%dma_wait3A_85 : memref<168xi32, #tpu.memory_space<hbm>>) dst(%arg7 : memref<168xi32, #tpu.memory_space<vmem>>)
      %dma_start3A_86 = arith.constant 0 : i32
      %dma_start3A_87 = arith.constant 0 : i32
      %dma_start3A_88 = tpu.memref_slice %arg2[%dma_start3A_86, %dma_start3A_87] : memref<10240x128xf32, #tpu.memory_space<hbm>> -> memref<10240x128xf32, #tpu.memory_space<hbm>>
      tpu.enqueue_indirect_dma source(%dma_start3A_88 : memref<10240x128xf32, #tpu.memory_space<hbm>>) target(%arg11 : memref<168x128xf32, #tpu.memory_space<vmem>>) offsets(%arg7 : memref<168xi32, #tpu.memory_space<vmem>>) semaphore(%arg14 : memref<!tpu.dma_semaphore, #tpu.memory_space<semaphore_mem>>)
      %dma_wait3A_89 = arith.constant 0 : i32
      %dma_wait3A_90 = arith.constant 0 : i32
      %dma_wait3A_91 = tpu.memref_slice %arg2[%dma_wait3A_89, %dma_wait3A_90] : memref<10240x128xf32, #tpu.memory_space<hbm>> -> memref<10240x128xf32, #tpu.memory_space<hbm>>
      tpu.wait_indirect_dma semaphore(%arg15 : memref<!tpu.dma_semaphore, #tpu.memory_space<semaphore_mem>>) src(%dma_wait3A_91 : memref<10240x128xf32, #tpu.memory_space<hbm>>) dst(%arg12 : memref<168x128xf32, #tpu.memory_space<vmem>>)
      %mul3A_92 = arith.constant 168 : i32
      %mul3A_93 = arith.muli %add3A_47, %mul3A_92 : i32
      %add3A_94 = arith.addi %mul3A_4, %mul3A_93 : i32
      %dma_wait3A_95 = tpu.memref_slice %arg4[%add3A_94] : memref<327936xi32, #tpu.memory_space<hbm>> -> memref<168xi32, #tpu.memory_space<hbm>>
      %dma_wait3A_96 = tpu.memref_slice %arg4[%add3A_94] : memref<327936xi32, #tpu.memory_space<hbm>> -> memref<168xi32, #tpu.memory_space<hbm>>
      tpu.wait_dma2 semaphore(%arg19 : memref<!tpu.dma_semaphore, #tpu.memory_space<semaphore_mem>>) src(%dma_wait3A_96 : memref<168xi32, #tpu.memory_space<hbm>>) dst(%arg10 : memref<168xi32, #tpu.memory_space<vmem>>)
      %add3A_97 = arith.constant 2 : i32
      %add3A_98 = arith.addi %add3A_47, %add3A_97 : i32
      %lt3A = arith.constant 61 : i32
      %lt3A_99 = arith.cmpi slt, %add3A_98, %lt3A : i32
      %add3A_100 = arith.constant 2 : i32
      %add3A_101 = arith.addi %add3A_47, %add3A_100 : i32
      %jit3A = arith.constant 0 : i32
      %select_n3A = arith.select %lt3A_99, %add3A_101, %jit3A : i32
      %mul3A_102 = arith.constant 168 : i32
      %mul3A_103 = arith.muli %select_n3A, %mul3A_102 : i32
      %add3A_104 = arith.addi %mul3A_4, %mul3A_103 : i32
      %dma_start3A_105 = tpu.memref_slice %arg3[%add3A_104] : memref<327936xi32, #tpu.memory_space<hbm>> -> memref<168xi32, #tpu.memory_space<hbm>>
      %dma_start3A_106 = tpu.memref_slice %arg3[%add3A_104] : memref<327936xi32, #tpu.memory_space<hbm>> -> memref<168xi32, #tpu.memory_space<hbm>>
      tpu.enqueue_dma source(%dma_start3A_106 : memref<168xi32, #tpu.memory_space<hbm>>) target(%arg9 : memref<168xi32, #tpu.memory_space<vmem>>) target_semaphore(%arg17 : memref<!tpu.dma_semaphore, #tpu.memory_space<semaphore_mem>>)
      "tpu.region"() ({
        %run_scoped3A = tpu.sem_alloc : memref<!tpu.dma_semaphore, #tpu.memory_space<semaphore_mem>>
        %dma_start3A_113 = arith.constant 0 : i32
        %dma_start3A_114 = arith.constant 0 : i32
        %dma_start3A_115 = tpu.memref_slice %arg13[%dma_start3A_113, %dma_start3A_114] : memref<10240x128xf32, #tpu.memory_space<vmem_shared>> -> memref<10240x128xf32, #tpu.memory_space<vmem_shared>>
        tpu.enqueue_indirect_dma source(%arg12 : memref<168x128xf32, #tpu.memory_space<vmem>>) target(%dma_start3A_115 : memref<10240x128xf32, #tpu.memory_space<vmem_shared>>) offsets(%arg10 : memref<168xi32, #tpu.memory_space<vmem>>) semaphore(%run_scoped3A : memref<!tpu.dma_semaphore, #tpu.memory_space<semaphore_mem>>) {add = true}
        %dma_wait3A_116 = arith.constant 0 : i32
        %dma_wait3A_117 = arith.constant 0 : i32
        %dma_wait3A_118 = tpu.memref_slice %arg13[%dma_wait3A_116, %dma_wait3A_117] : memref<10240x128xf32, #tpu.memory_space<vmem_shared>> -> memref<10240x128xf32, #tpu.memory_space<vmem_shared>>
        tpu.wait_indirect_dma semaphore(%run_scoped3A : memref<!tpu.dma_semaphore, #tpu.memory_space<semaphore_mem>>) src(%arg12 : memref<168x128xf32, #tpu.memory_space<vmem>>) dst(%dma_wait3A_118 : memref<10240x128xf32, #tpu.memory_space<vmem_shared>>)
        tpu.yield
      }) : () -> ()
      %mul3A_107 = arith.constant 168 : i32
      %mul3A_108 = arith.muli %select_n3A, %mul3A_107 : i32
      %add3A_109 = arith.addi %mul3A_4, %mul3A_108 : i32
      %dma_start3A_110 = tpu.memref_slice %arg4[%add3A_109] : memref<327936xi32, #tpu.memory_space<hbm>> -> memref<168xi32, #tpu.memory_space<hbm>>
      %dma_start3A_111 = tpu.memref_slice %arg4[%add3A_109] : memref<327936xi32, #tpu.memory_space<hbm>> -> memref<168xi32, #tpu.memory_space<hbm>>
      tpu.enqueue_dma source(%dma_start3A_111 : memref<168xi32, #tpu.memory_space<hbm>>) target(%arg10 : memref<168xi32, #tpu.memory_space<vmem>>) target_semaphore(%arg19 : memref<!tpu.dma_semaphore, #tpu.memory_space<semaphore_mem>>)
      %scan3A_112 = arith.constant 0 : i32
      scf.yield %scan3A_112 : i32
    }
    %scan3A_26 = arith.constant 30 : i32
    %dma_wait3A = arith.constant 0 : i32
    %dma_wait3A_27 = arith.constant 0 : i32
    %dma_wait3A_28 = tpu.memref_slice %arg2[%dma_wait3A, %dma_wait3A_27] : memref<10240x128xf32, #tpu.memory_space<hbm>> -> memref<10240x128xf32, #tpu.memory_space<hbm>>
    tpu.wait_indirect_dma semaphore(%arg14 : memref<!tpu.dma_semaphore, #tpu.memory_space<semaphore_mem>>) src(%dma_wait3A_28 : memref<10240x128xf32, #tpu.memory_space<hbm>>) dst(%arg11 : memref<168x128xf32, #tpu.memory_space<vmem>>)
    %add3A_29 = arith.constant 10080 : i32
    %add3A_30 = arith.addi %mul3A_4, %add3A_29 : i32
    %dma_wait3A_31 = tpu.memref_slice %arg4[%add3A_30] : memref<327936xi32, #tpu.memory_space<hbm>> -> memref<168xi32, #tpu.memory_space<hbm>>
    %dma_wait3A_32 = tpu.memref_slice %arg4[%add3A_30] : memref<327936xi32, #tpu.memory_space<hbm>> -> memref<168xi32, #tpu.memory_space<hbm>>
    tpu.wait_dma2 semaphore(%arg18 : memref<!tpu.dma_semaphore, #tpu.memory_space<semaphore_mem>>) src(%dma_wait3A_32 : memref<168xi32, #tpu.memory_space<hbm>>) dst(%arg8 : memref<168xi32, #tpu.memory_space<vmem>>)
    "tpu.region"() ({
      %run_scoped3A = tpu.sem_alloc : memref<!tpu.dma_semaphore, #tpu.memory_space<semaphore_mem>>
      %dma_start3A_42 = arith.constant 0 : i32
      %dma_start3A_43 = arith.constant 0 : i32
      %dma_start3A_44 = tpu.memref_slice %arg13[%dma_start3A_42, %dma_start3A_43] : memref<10240x128xf32, #tpu.memory_space<vmem_shared>> -> memref<10240x128xf32, #tpu.memory_space<vmem_shared>>
      tpu.enqueue_indirect_dma source(%arg11 : memref<168x128xf32, #tpu.memory_space<vmem>>) target(%dma_start3A_44 : memref<10240x128xf32, #tpu.memory_space<vmem_shared>>) offsets(%arg8 : memref<168xi32, #tpu.memory_space<vmem>>) semaphore(%run_scoped3A : memref<!tpu.dma_semaphore, #tpu.memory_space<semaphore_mem>>) {add = true}
      %dma_wait3A_45 = arith.constant 0 : i32
      %dma_wait3A_46 = arith.constant 0 : i32
      %dma_wait3A_47 = tpu.memref_slice %arg13[%dma_wait3A_45, %dma_wait3A_46] : memref<10240x128xf32, #tpu.memory_space<vmem_shared>> -> memref<10240x128xf32, #tpu.memory_space<vmem_shared>>
      tpu.wait_indirect_dma semaphore(%run_scoped3A : memref<!tpu.dma_semaphore, #tpu.memory_space<semaphore_mem>>) src(%arg11 : memref<168x128xf32, #tpu.memory_space<vmem>>) dst(%dma_wait3A_47 : memref<10240x128xf32, #tpu.memory_space<vmem_shared>>)
      tpu.yield
    }) : () -> ()
    %add3A_33 = arith.constant 0 : i32
    %add3A_34 = arith.addi %mul3A_4, %add3A_33 : i32
    %dma_wait3A_35 = tpu.memref_slice %arg3[%add3A_34] : memref<327936xi32, #tpu.memory_space<hbm>> -> memref<168xi32, #tpu.memory_space<hbm>>
    %dma_wait3A_36 = tpu.memref_slice %arg3[%add3A_34] : memref<327936xi32, #tpu.memory_space<hbm>> -> memref<168xi32, #tpu.memory_space<hbm>>
    tpu.wait_dma2 semaphore(%arg17 : memref<!tpu.dma_semaphore, #tpu.memory_space<semaphore_mem>>) src(%dma_wait3A_36 : memref<168xi32, #tpu.memory_space<hbm>>) dst(%arg9 : memref<168xi32, #tpu.memory_space<vmem>>)
    %add3A_37 = arith.constant 0 : i32
    %add3A_38 = arith.addi %mul3A_4, %add3A_37 : i32
    %dma_wait3A_39 = tpu.memref_slice %arg4[%add3A_38] : memref<327936xi32, #tpu.memory_space<hbm>> -> memref<168xi32, #tpu.memory_space<hbm>>
    %dma_wait3A_40 = tpu.memref_slice %arg4[%add3A_38] : memref<327936xi32, #tpu.memory_space<hbm>> -> memref<168xi32, #tpu.memory_space<hbm>>
    tpu.wait_dma2 semaphore(%arg19 : memref<!tpu.dma_semaphore, #tpu.memory_space<semaphore_mem>>) src(%dma_wait3A_40 : memref<168xi32, #tpu.memory_space<hbm>>) dst(%arg10 : memref<168xi32, #tpu.memory_space<vmem>>)
    %barrier3A_41 = arith.constant 0 : index
    tpu.barrier barrier_id(%barrier3A_41)
    "tpu.region"() ({
      %run_scoped3A = tpu.sem_alloc : memref<!tpu.dma_semaphore, #tpu.memory_space<semaphore_mem>>
      %dma_start3A_42 = arith.constant 0 : i32
      %dma_start3A_43 = tpu.memref_slice %arg6[%arg0, %mul3A_2, %dma_start3A_42] : memref<2x10240x128xf32, #tpu.memory_space<hbm>> -> memref<1x640x128xf32, #tpu.memory_space<hbm>>
      %dma_start3A_44 = tpu.memref_squeeze %dma_start3A_43 : memref<1x640x128xf32, #tpu.memory_space<hbm>> -> memref<640x128xf32, #tpu.memory_space<hbm>>
      %dma_start3A_45 = arith.constant 0 : i32
      %dma_start3A_46 = tpu.memref_slice %arg13[%mul3A_2, %dma_start3A_45] : memref<10240x128xf32, #tpu.memory_space<vmem_shared>> -> memref<640x128xf32, #tpu.memory_space<vmem_shared>>
      tpu.enqueue_dma source(%dma_start3A_46 : memref<640x128xf32, #tpu.memory_space<vmem_shared>>) target(%dma_start3A_44 : memref<640x128xf32, #tpu.memory_space<hbm>>) target_semaphore(%run_scoped3A : memref<!tpu.dma_semaphore, #tpu.memory_space<semaphore_mem>>)
      %dma_wait3A_47 = arith.constant 0 : i32
      %dma_wait3A_48 = tpu.memref_slice %arg6[%arg0, %mul3A_2, %dma_wait3A_47] : memref<2x10240x128xf32, #tpu.memory_space<hbm>> -> memref<1x640x128xf32, #tpu.memory_space<hbm>>
      %dma_wait3A_49 = tpu.memref_squeeze %dma_wait3A_48 : memref<1x640x128xf32, #tpu.memory_space<hbm>> -> memref<640x128xf32, #tpu.memory_space<hbm>>
      %dma_wait3A_50 = arith.constant 0 : i32
      %dma_wait3A_51 = tpu.memref_slice %arg13[%mul3A_2, %dma_wait3A_50] : memref<10240x128xf32, #tpu.memory_space<vmem_shared>> -> memref<640x128xf32, #tpu.memory_space<vmem_shared>>
      tpu.wait_dma2 semaphore(%run_scoped3A : memref<!tpu.dma_semaphore, #tpu.memory_space<semaphore_mem>>) src(%dma_wait3A_51 : memref<640x128xf32, #tpu.memory_space<vmem_shared>>) dst(%dma_wait3A_49 : memref<640x128xf32, #tpu.memory_space<hbm>>)
      tpu.yield
    }) : () -> ()
    return
  }
}

#map = affine_map<(d0, d1) -> (0, 0)>
#map1 = affine_map<(d0, d1) -> (0)>
#map2 = affine_map<(d0, d1) -> (0, 0, 0)>
module attributes {stable_mosaic.version = 14 : i64} {
  func.func @_sc_agg(%arg0: i32, %arg1: i32, %arg2: memref<10240x128xf32, #tpu.memory_space<hbm>>, %arg3: memref<327936xi32, #tpu.memory_space<hbm>>, %arg4: memref<327936xi32, #tpu.memory_space<hbm>>, %arg5: memref<10240x128xf32, #tpu.memory_space<hbm>>, %arg6: memref<2x10240x128xf32, #tpu.memory_space<hbm>>, %arg7: memref<168xi32, #tpu.memory_space<vmem>>, %arg8: memref<168xi32, #tpu.memory_space<vmem>>, %arg9: memref<168xi32, #tpu.memory_space<vmem>>, %arg10: memref<168xi32, #tpu.memory_space<vmem>>, %arg11: memref<168x128xf32, #tpu.memory_space<vmem>>, %arg12: memref<168x128xf32, #tpu.memory_space<vmem>>, %arg13: memref<10240x128xf32, #tpu.memory_space<vmem_shared>>, %arg14: memref<!tpu.dma_semaphore, #tpu.memory_space<semaphore_mem>>, %arg15: memref<!tpu.dma_semaphore, #tpu.memory_space<semaphore_mem>>, %arg16: memref<!tpu.dma_semaphore, #tpu.memory_space<semaphore_mem>>, %arg17: memref<!tpu.dma_semaphore, #tpu.memory_space<semaphore_mem>>, %arg18: memref<!tpu.dma_semaphore, #tpu.memory_space<semaphore_mem>>, %arg19: memref<!tpu.dma_semaphore, #tpu.memory_space<semaphore_mem>>) attributes {dimension_semantics = [#tpu.dimension_semantics<core_parallel>, #tpu.dimension_semantics<subcore_parallel>], iteration_bounds = array<i64: 2, 16>, scalar_prefetch = 0 : i64, scratch_operands = 13 : i64, tpu.core_type = #tpu.core_type<sc_vector_subcore>, window_params = [{transform_indices = #map}, {transform_indices = #map1}, {transform_indices = #map1}, {transform_indices = #map}, {transform_indices = #map2}]} {
    %mul3A = arith.constant 2 : i32
    %mul3A_0 = arith.muli %arg1, %mul3A : i32
    %add3A = arith.addi %mul3A_0, %arg0 : i32
    %mul3A_1 = arith.constant 640 : i32
    %mul3A_2 = arith.muli %arg1, %mul3A_1 : i32
    "tpu.region"() ({
      %run_scoped3A = tpu.sem_alloc : memref<!tpu.dma_semaphore, #tpu.memory_space<semaphore_mem>>
      %dma_start3A_42 = arith.constant 0 : i32
      %dma_start3A_43 = tpu.memref_slice %arg13[%mul3A_2, %dma_start3A_42] : memref<10240x128xf32, #tpu.memory_space<vmem_shared>> -> memref<640x128xf32, #tpu.memory_space<vmem_shared>>
      %dma_start3A_44 = arith.constant 0 : i32
      %dma_start3A_45 = tpu.memref_slice %arg5[%mul3A_2, %dma_start3A_44] : memref<10240x128xf32, #tpu.memory_space<hbm>> -> memref<640x128xf32, #tpu.memory_space<hbm>>
      tpu.enqueue_dma source(%dma_start3A_45 : memref<640x128xf32, #tpu.memory_space<hbm>>) target(%dma_start3A_43 : memref<640x128xf32, #tpu.memory_space<vmem_shared>>) target_semaphore(%run_scoped3A : memref<!tpu.dma_semaphore, #tpu.memory_space<semaphore_mem>>)
      %dma_wait3A_46 = arith.constant 0 : i32
      %dma_wait3A_47 = tpu.memref_slice %arg13[%mul3A_2, %dma_wait3A_46] : memref<10240x128xf32, #tpu.memory_space<vmem_shared>> -> memref<640x128xf32, #tpu.memory_space<vmem_shared>>
      %dma_wait3A_48 = arith.constant 0 : i32
      %dma_wait3A_49 = tpu.memref_slice %arg5[%mul3A_2, %dma_wait3A_48] : memref<10240x128xf32, #tpu.memory_space<hbm>> -> memref<640x128xf32, #tpu.memory_space<hbm>>
      tpu.wait_dma2 semaphore(%run_scoped3A : memref<!tpu.dma_semaphore, #tpu.memory_space<semaphore_mem>>) src(%dma_wait3A_49 : memref<640x128xf32, #tpu.memory_space<hbm>>) dst(%dma_wait3A_47 : memref<640x128xf32, #tpu.memory_space<vmem_shared>>)
      tpu.yield
    }) : () -> ()
    %barrier3A = arith.constant 0 : index
    tpu.barrier barrier_id(%barrier3A)
    %mul3A_3 = arith.constant 10248 : i32
    %mul3A_4 = arith.muli %add3A, %mul3A_3 : i32
    %add3A_5 = arith.constant 0 : i32
    %add3A_6 = arith.addi %mul3A_4, %add3A_5 : i32
    %dma_start3A = tpu.memref_slice %arg4[%add3A_6] : memref<327936xi32, #tpu.memory_space<hbm>> -> memref<168xi32, #tpu.memory_space<hbm>>
    %dma_start3A_7 = tpu.memref_slice %arg4[%add3A_6] : memref<327936xi32, #tpu.memory_space<hbm>> -> memref<168xi32, #tpu.memory_space<hbm>>
    tpu.enqueue_dma source(%dma_start3A_7 : memref<168xi32, #tpu.memory_space<hbm>>) target(%arg8 : memref<168xi32, #tpu.memory_space<vmem>>) target_semaphore(%arg18 : memref<!tpu.dma_semaphore, #tpu.memory_space<semaphore_mem>>)
    %add3A_8 = arith.constant 0 : i32
    %add3A_9 = arith.addi %mul3A_4, %add3A_8 : i32
    "tpu.region"() ({
      %run_scoped3A = tpu.sem_alloc : memref<!tpu.dma_semaphore, #tpu.memory_space<semaphore_mem>>
      %dma_start3A_42 = tpu.memref_slice %arg3[%add3A_9] : memref<327936xi32, #tpu.memory_space<hbm>> -> memref<168xi32, #tpu.memory_space<hbm>>
      %dma_start3A_43 = tpu.memref_slice %arg3[%add3A_9] : memref<327936xi32, #tpu.memory_space<hbm>> -> memref<168xi32, #tpu.memory_space<hbm>>
      tpu.enqueue_dma source(%dma_start3A_43 : memref<168xi32, #tpu.memory_space<hbm>>) target(%arg7 : memref<168xi32, #tpu.memory_space<vmem>>) target_semaphore(%run_scoped3A : memref<!tpu.dma_semaphore, #tpu.memory_space<semaphore_mem>>)
      %dma_wait3A_44 = tpu.memref_slice %arg3[%add3A_9] : memref<327936xi32, #tpu.memory_space<hbm>> -> memref<168xi32, #tpu.memory_space<hbm>>
      %dma_wait3A_45 = tpu.memref_slice %arg3[%add3A_9] : memref<327936xi32, #tpu.memory_space<hbm>> -> memref<168xi32, #tpu.memory_space<hbm>>
      tpu.wait_dma2 semaphore(%run_scoped3A : memref<!tpu.dma_semaphore, #tpu.memory_space<semaphore_mem>>) src(%dma_wait3A_45 : memref<168xi32, #tpu.memory_space<hbm>>) dst(%arg7 : memref<168xi32, #tpu.memory_space<vmem>>)
      tpu.yield
    }) : () -> ()
    %dma_start3A_10 = arith.constant 0 : i32
    %dma_start3A_11 = arith.constant 0 : i32
    %dma_start3A_12 = tpu.memref_slice %arg2[%dma_start3A_10, %dma_start3A_11] : memref<10240x128xf32, #tpu.memory_space<hbm>> -> memref<10240x128xf32, #tpu.memory_space<hbm>>
    tpu.enqueue_indirect_dma source(%dma_start3A_12 : memref<10240x128xf32, #tpu.memory_space<hbm>>) target(%arg11 : memref<168x128xf32, #tpu.memory_space<vmem>>) offsets(%arg7 : memref<168xi32, #tpu.memory_space<vmem>>) semaphore(%arg14 : memref<!tpu.dma_semaphore, #tpu.memory_space<semaphore_mem>>)
    %add3A_13 = arith.constant 168 : i32
    %add3A_14 = arith.addi %mul3A_4, %add3A_13 : i32
    %dma_start3A_15 = tpu.memref_slice %arg3[%add3A_14] : memref<327936xi32, #tpu.memory_space<hbm>> -> memref<168xi32, #tpu.memory_space<hbm>>
    %dma_start3A_16 = tpu.memref_slice %arg3[%add3A_14] : memref<327936xi32, #tpu.memory_space<hbm>> -> memref<168xi32, #tpu.memory_space<hbm>>
    tpu.enqueue_dma source(%dma_start3A_16 : memref<168xi32, #tpu.memory_space<hbm>>) target(%arg9 : memref<168xi32, #tpu.memory_space<vmem>>) target_semaphore(%arg17 : memref<!tpu.dma_semaphore, #tpu.memory_space<semaphore_mem>>)
    %add3A_17 = arith.constant 168 : i32
    %add3A_18 = arith.addi %mul3A_4, %add3A_17 : i32
    %dma_start3A_19 = tpu.memref_slice %arg4[%add3A_18] : memref<327936xi32, #tpu.memory_space<hbm>> -> memref<168xi32, #tpu.memory_space<hbm>>
    %dma_start3A_20 = tpu.memref_slice %arg4[%add3A_18] : memref<327936xi32, #tpu.memory_space<hbm>> -> memref<168xi32, #tpu.memory_space<hbm>>
    tpu.enqueue_dma source(%dma_start3A_20 : memref<168xi32, #tpu.memory_space<hbm>>) target(%arg10 : memref<168xi32, #tpu.memory_space<vmem>>) target_semaphore(%arg19 : memref<!tpu.dma_semaphore, #tpu.memory_space<semaphore_mem>>)
    %scan3A = arith.constant 0 : i32
    %scan3A_21 = arith.constant 0 : i32
    %scan3A_22 = arith.constant 30 : i32
    %scan3A_23 = arith.addi %scan3A_21, %scan3A_22 : i32
    %scan3A_24 = arith.constant 1 : i32
    %scan3A_25 = scf.for %scan3A_42 = %scan3A_21 to %scan3A_23 step %scan3A_24 iter_args(%scan3A_43 = %scan3A) -> (i32)  : i32 {
      %mul3A_44 = arith.constant 2 : i32
      %mul3A_45 = arith.muli %mul3A_44, %scan3A_42 : i32
      %add3A_46 = arith.constant 1 : i32
      %add3A_47 = arith.addi %mul3A_45, %add3A_46 : i32
      %mul3A_48 = arith.constant 168 : i32
      %mul3A_49 = arith.muli %add3A_47, %mul3A_48 : i32
      %add3A_50 = arith.addi %mul3A_4, %mul3A_49 : i32
      %dma_wait3A_51 = tpu.memref_slice %arg3[%add3A_50] : memref<327936xi32, #tpu.memory_space<hbm>> -> memref<168xi32, #tpu.memory_space<hbm>>
      %dma_wait3A_52 = tpu.memref_slice %arg3[%add3A_50] : memref<327936xi32, #tpu.memory_space<hbm>> -> memref<168xi32, #tpu.memory_space<hbm>>
      tpu.wait_dma2 semaphore(%arg17 : memref<!tpu.dma_semaphore, #tpu.memory_space<semaphore_mem>>) src(%dma_wait3A_52 : memref<168xi32, #tpu.memory_space<hbm>>) dst(%arg9 : memref<168xi32, #tpu.memory_space<vmem>>)
      %dma_start3A_53 = arith.constant 0 : i32
      %dma_start3A_54 = arith.constant 0 : i32
      %dma_start3A_55 = tpu.memref_slice %arg2[%dma_start3A_53, %dma_start3A_54] : memref<10240x128xf32, #tpu.memory_space<hbm>> -> memref<10240x128xf32, #tpu.memory_space<hbm>>
      tpu.enqueue_indirect_dma source(%dma_start3A_55 : memref<10240x128xf32, #tpu.memory_space<hbm>>) target(%arg12 : memref<168x128xf32, #tpu.memory_space<vmem>>) offsets(%arg9 : memref<168xi32, #tpu.memory_space<vmem>>) semaphore(%arg15 : memref<!tpu.dma_semaphore, #tpu.memory_space<semaphore_mem>>)
      %dma_wait3A_56 = arith.constant 0 : i32
      %dma_wait3A_57 = arith.constant 0 : i32
      %dma_wait3A_58 = tpu.memref_slice %arg2[%dma_wait3A_56, %dma_wait3A_57] : memref<10240x128xf32, #tpu.memory_space<hbm>> -> memref<10240x128xf32, #tpu.memory_space<hbm>>
      tpu.wait_indirect_dma semaphore(%arg14 : memref<!tpu.dma_semaphore, #tpu.memory_space<semaphore_mem>>) src(%dma_wait3A_58 : memref<10240x128xf32, #tpu.memory_space<hbm>>) dst(%arg11 : memref<168x128xf32, #tpu.memory_space<vmem>>)
      %sub3A = arith.constant 1 : i32
      %sub3A_59 = arith.subi %add3A_47, %sub3A : i32
      %mul3A_60 = arith.constant 168 : i32
      %mul3A_61 = arith.muli %sub3A_59, %mul3A_60 : i32
      %add3A_62 = arith.addi %mul3A_4, %mul3A_61 : i32
      %dma_wait3A_63 = tpu.memref_slice %arg4[%add3A_62] : memref<327936xi32, #tpu.memory_space<hbm>> -> memref<168xi32, #tpu.memory_space<hbm>>
      %dma_wait3A_64 = tpu.memref_slice %arg4[%add3A_62] : memref<327936xi32, #tpu.memory_space<hbm>> -> memref<168xi32, #tpu.memory_space<hbm>>
      tpu.wait_dma2 semaphore(%arg18 : memref<!tpu.dma_semaphore, #tpu.memory_space<semaphore_mem>>) src(%dma_wait3A_64 : memref<168xi32, #tpu.memory_space<hbm>>) dst(%arg8 : memref<168xi32, #tpu.memory_space<vmem>>)
      %add3A_65 = arith.constant 1 : i32
      %add3A_66 = arith.addi %add3A_47, %add3A_65 : i32
      %mul3A_67 = arith.constant 168 : i32
      %mul3A_68 = arith.muli %add3A_66, %mul3A_67 : i32
      %add3A_69 = arith.addi %mul3A_4, %mul3A_68 : i32
      %dma_start3A_70 = tpu.memref_slice %arg3[%add3A_69] : memref<327936xi32, #tpu.memory_space<hbm>> -> memref<168xi32, #tpu.memory_space<hbm>>
      %dma_start3A_71 = tpu.memref_slice %arg3[%add3A_69] : memref<327936xi32, #tpu.memory_space<hbm>> -> memref<168xi32, #tpu.memory_space<hbm>>
      tpu.enqueue_dma source(%dma_start3A_71 : memref<168xi32, #tpu.memory_space<hbm>>) target(%arg7 : memref<168xi32, #tpu.memory_space<vmem>>) target_semaphore(%arg16 : memref<!tpu.dma_semaphore, #tpu.memory_space<semaphore_mem>>)
      "tpu.region"() ({
        %run_scoped3A = tpu.sem_alloc : memref<!tpu.dma_semaphore, #tpu.memory_space<semaphore_mem>>
        %dma_start3A_113 = arith.constant 0 : i32
        %dma_start3A_114 = arith.constant 0 : i32
        %dma_start3A_115 = tpu.memref_slice %arg13[%dma_start3A_113, %dma_start3A_114] : memref<10240x128xf32, #tpu.memory_space<vmem_shared>> -> memref<10240x128xf32, #tpu.memory_space<vmem_shared>>
        tpu.enqueue_indirect_dma source(%arg11 : memref<168x128xf32, #tpu.memory_space<vmem>>) target(%dma_start3A_115 : memref<10240x128xf32, #tpu.memory_space<vmem_shared>>) offsets(%arg8 : memref<168xi32, #tpu.memory_space<vmem>>) semaphore(%run_scoped3A : memref<!tpu.dma_semaphore, #tpu.memory_space<semaphore_mem>>) {add = true}
        %dma_wait3A_116 = arith.constant 0 : i32
        %dma_wait3A_117 = arith.constant 0 : i32
        %dma_wait3A_118 = tpu.memref_slice %arg13[%dma_wait3A_116, %dma_wait3A_117] : memref<10240x128xf32, #tpu.memory_space<vmem_shared>> -> memref<10240x128xf32, #tpu.memory_space<vmem_shared>>
        tpu.wait_indirect_dma semaphore(%run_scoped3A : memref<!tpu.dma_semaphore, #tpu.memory_space<semaphore_mem>>) src(%arg11 : memref<168x128xf32, #tpu.memory_space<vmem>>) dst(%dma_wait3A_118 : memref<10240x128xf32, #tpu.memory_space<vmem_shared>>)
        tpu.yield
      }) : () -> ()
      %add3A_72 = arith.constant 1 : i32
      %add3A_73 = arith.addi %add3A_47, %add3A_72 : i32
      %mul3A_74 = arith.constant 168 : i32
      %mul3A_75 = arith.muli %add3A_73, %mul3A_74 : i32
      %add3A_76 = arith.addi %mul3A_4, %mul3A_75 : i32
      %dma_start3A_77 = tpu.memref_slice %arg4[%add3A_76] : memref<327936xi32, #tpu.memory_space<hbm>> -> memref<168xi32, #tpu.memory_space<hbm>>
      %dma_start3A_78 = tpu.memref_slice %arg4[%add3A_76] : memref<327936xi32, #tpu.memory_space<hbm>> -> memref<168xi32, #tpu.memory_space<hbm>>
      tpu.enqueue_dma source(%dma_start3A_78 : memref<168xi32, #tpu.memory_space<hbm>>) target(%arg8 : memref<168xi32, #tpu.memory_space<vmem>>) target_semaphore(%arg18 : memref<!tpu.dma_semaphore, #tpu.memory_space<semaphore_mem>>)
      %add3A_79 = arith.constant 1 : i32
      %add3A_80 = arith.addi %add3A_47, %add3A_79 : i32
      %mul3A_81 = arith.constant 168 : i32
      %mul3A_82 = arith.muli %add3A_80, %mul3A_81 : i32
      %add3A_83 = arith.addi %mul3A_4, %mul3A_82 : i32
      %dma_wait3A_84 = tpu.memref_slice %arg3[%add3A_83] : memref<327936xi32, #tpu.memory_space<hbm>> -> memref<168xi32, #tpu.memory_space<hbm>>
      %dma_wait3A_85 = tpu.memref_slice %arg3[%add3A_83] : memref<327936xi32, #tpu.memory_space<hbm>> -> memref<168xi32, #tpu.memory_space<hbm>>
      tpu.wait_dma2 semaphore(%arg16 : memref<!tpu.dma_semaphore, #tpu.memory_space<semaphore_mem>>) src(%dma_wait3A_85 : memref<168xi32, #tpu.memory_space<hbm>>) dst(%arg7 : memref<168xi32, #tpu.memory_space<vmem>>)
      %dma_start3A_86 = arith.constant 0 : i32
      %dma_start3A_87 = arith.constant 0 : i32
      %dma_start3A_88 = tpu.memref_slice %arg2[%dma_start3A_86, %dma_start3A_87] : memref<10240x128xf32, #tpu.memory_space<hbm>> -> memref<10240x128xf32, #tpu.memory_space<hbm>>
      tpu.enqueue_indirect_dma source(%dma_start3A_88 : memref<10240x128xf32, #tpu.memory_space<hbm>>) target(%arg11 : memref<168x128xf32, #tpu.memory_space<vmem>>) offsets(%arg7 : memref<168xi32, #tpu.memory_space<vmem>>) semaphore(%arg14 : memref<!tpu.dma_semaphore, #tpu.memory_space<semaphore_mem>>)
      %dma_wait3A_89 = arith.constant 0 : i32
      %dma_wait3A_90 = arith.constant 0 : i32
      %dma_wait3A_91 = tpu.memref_slice %arg2[%dma_wait3A_89, %dma_wait3A_90] : memref<10240x128xf32, #tpu.memory_space<hbm>> -> memref<10240x128xf32, #tpu.memory_space<hbm>>
      tpu.wait_indirect_dma semaphore(%arg15 : memref<!tpu.dma_semaphore, #tpu.memory_space<semaphore_mem>>) src(%dma_wait3A_91 : memref<10240x128xf32, #tpu.memory_space<hbm>>) dst(%arg12 : memref<168x128xf32, #tpu.memory_space<vmem>>)
      %mul3A_92 = arith.constant 168 : i32
      %mul3A_93 = arith.muli %add3A_47, %mul3A_92 : i32
      %add3A_94 = arith.addi %mul3A_4, %mul3A_93 : i32
      %dma_wait3A_95 = tpu.memref_slice %arg4[%add3A_94] : memref<327936xi32, #tpu.memory_space<hbm>> -> memref<168xi32, #tpu.memory_space<hbm>>
      %dma_wait3A_96 = tpu.memref_slice %arg4[%add3A_94] : memref<327936xi32, #tpu.memory_space<hbm>> -> memref<168xi32, #tpu.memory_space<hbm>>
      tpu.wait_dma2 semaphore(%arg19 : memref<!tpu.dma_semaphore, #tpu.memory_space<semaphore_mem>>) src(%dma_wait3A_96 : memref<168xi32, #tpu.memory_space<hbm>>) dst(%arg10 : memref<168xi32, #tpu.memory_space<vmem>>)
      %add3A_97 = arith.constant 2 : i32
      %add3A_98 = arith.addi %add3A_47, %add3A_97 : i32
      %lt3A = arith.constant 61 : i32
      %lt3A_99 = arith.cmpi slt, %add3A_98, %lt3A : i32
      %add3A_100 = arith.constant 2 : i32
      %add3A_101 = arith.addi %add3A_47, %add3A_100 : i32
      %jit3A = arith.constant 0 : i32
      %select_n3A = arith.select %lt3A_99, %add3A_101, %jit3A : i32
      %mul3A_102 = arith.constant 168 : i32
      %mul3A_103 = arith.muli %select_n3A, %mul3A_102 : i32
      %add3A_104 = arith.addi %mul3A_4, %mul3A_103 : i32
      %dma_start3A_105 = tpu.memref_slice %arg3[%add3A_104] : memref<327936xi32, #tpu.memory_space<hbm>> -> memref<168xi32, #tpu.memory_space<hbm>>
      %dma_start3A_106 = tpu.memref_slice %arg3[%add3A_104] : memref<327936xi32, #tpu.memory_space<hbm>> -> memref<168xi32, #tpu.memory_space<hbm>>
      tpu.enqueue_dma source(%dma_start3A_106 : memref<168xi32, #tpu.memory_space<hbm>>) target(%arg9 : memref<168xi32, #tpu.memory_space<vmem>>) target_semaphore(%arg17 : memref<!tpu.dma_semaphore, #tpu.memory_space<semaphore_mem>>)
      "tpu.region"() ({
        %run_scoped3A = tpu.sem_alloc : memref<!tpu.dma_semaphore, #tpu.memory_space<semaphore_mem>>
        %dma_start3A_113 = arith.constant 0 : i32
        %dma_start3A_114 = arith.constant 0 : i32
        %dma_start3A_115 = tpu.memref_slice %arg13[%dma_start3A_113, %dma_start3A_114] : memref<10240x128xf32, #tpu.memory_space<vmem_shared>> -> memref<10240x128xf32, #tpu.memory_space<vmem_shared>>
        tpu.enqueue_indirect_dma source(%arg12 : memref<168x128xf32, #tpu.memory_space<vmem>>) target(%dma_start3A_115 : memref<10240x128xf32, #tpu.memory_space<vmem_shared>>) offsets(%arg10 : memref<168xi32, #tpu.memory_space<vmem>>) semaphore(%run_scoped3A : memref<!tpu.dma_semaphore, #tpu.memory_space<semaphore_mem>>) {add = true}
        %dma_wait3A_116 = arith.constant 0 : i32
        %dma_wait3A_117 = arith.constant 0 : i32
        %dma_wait3A_118 = tpu.memref_slice %arg13[%dma_wait3A_116, %dma_wait3A_117] : memref<10240x128xf32, #tpu.memory_space<vmem_shared>> -> memref<10240x128xf32, #tpu.memory_space<vmem_shared>>
        tpu.wait_indirect_dma semaphore(%run_scoped3A : memref<!tpu.dma_semaphore, #tpu.memory_space<semaphore_mem>>) src(%arg12 : memref<168x128xf32, #tpu.memory_space<vmem>>) dst(%dma_wait3A_118 : memref<10240x128xf32, #tpu.memory_space<vmem_shared>>)
        tpu.yield
      }) : () -> ()
      %mul3A_107 = arith.constant 168 : i32
      %mul3A_108 = arith.muli %select_n3A, %mul3A_107 : i32
      %add3A_109 = arith.addi %mul3A_4, %mul3A_108 : i32
      %dma_start3A_110 = tpu.memref_slice %arg4[%add3A_109] : memref<327936xi32, #tpu.memory_space<hbm>> -> memref<168xi32, #tpu.memory_space<hbm>>
      %dma_start3A_111 = tpu.memref_slice %arg4[%add3A_109] : memref<327936xi32, #tpu.memory_space<hbm>> -> memref<168xi32, #tpu.memory_space<hbm>>
      tpu.enqueue_dma source(%dma_start3A_111 : memref<168xi32, #tpu.memory_space<hbm>>) target(%arg10 : memref<168xi32, #tpu.memory_space<vmem>>) target_semaphore(%arg19 : memref<!tpu.dma_semaphore, #tpu.memory_space<semaphore_mem>>)
      %scan3A_112 = arith.constant 0 : i32
      scf.yield %scan3A_112 : i32
    }
    %scan3A_26 = arith.constant 30 : i32
    %dma_wait3A = arith.constant 0 : i32
    %dma_wait3A_27 = arith.constant 0 : i32
    %dma_wait3A_28 = tpu.memref_slice %arg2[%dma_wait3A, %dma_wait3A_27] : memref<10240x128xf32, #tpu.memory_space<hbm>> -> memref<10240x128xf32, #tpu.memory_space<hbm>>
    tpu.wait_indirect_dma semaphore(%arg14 : memref<!tpu.dma_semaphore, #tpu.memory_space<semaphore_mem>>) src(%dma_wait3A_28 : memref<10240x128xf32, #tpu.memory_space<hbm>>) dst(%arg11 : memref<168x128xf32, #tpu.memory_space<vmem>>)
    %add3A_29 = arith.constant 10080 : i32
    %add3A_30 = arith.addi %mul3A_4, %add3A_29 : i32
    %dma_wait3A_31 = tpu.memref_slice %arg4[%add3A_30] : memref<327936xi32, #tpu.memory_space<hbm>> -> memref<168xi32, #tpu.memory_space<hbm>>
    %dma_wait3A_32 = tpu.memref_slice %arg4[%add3A_30] : memref<327936xi32, #tpu.memory_space<hbm>> -> memref<168xi32, #tpu.memory_space<hbm>>
    tpu.wait_dma2 semaphore(%arg18 : memref<!tpu.dma_semaphore, #tpu.memory_space<semaphore_mem>>) src(%dma_wait3A_32 : memref<168xi32, #tpu.memory_space<hbm>>) dst(%arg8 : memref<168xi32, #tpu.memory_space<vmem>>)
    "tpu.region"() ({
      %run_scoped3A = tpu.sem_alloc : memref<!tpu.dma_semaphore, #tpu.memory_space<semaphore_mem>>
      %dma_start3A_42 = arith.constant 0 : i32
      %dma_start3A_43 = arith.constant 0 : i32
      %dma_start3A_44 = tpu.memref_slice %arg13[%dma_start3A_42, %dma_start3A_43] : memref<10240x128xf32, #tpu.memory_space<vmem_shared>> -> memref<10240x128xf32, #tpu.memory_space<vmem_shared>>
      tpu.enqueue_indirect_dma source(%arg11 : memref<168x128xf32, #tpu.memory_space<vmem>>) target(%dma_start3A_44 : memref<10240x128xf32, #tpu.memory_space<vmem_shared>>) offsets(%arg8 : memref<168xi32, #tpu.memory_space<vmem>>) semaphore(%run_scoped3A : memref<!tpu.dma_semaphore, #tpu.memory_space<semaphore_mem>>) {add = true}
      %dma_wait3A_45 = arith.constant 0 : i32
      %dma_wait3A_46 = arith.constant 0 : i32
      %dma_wait3A_47 = tpu.memref_slice %arg13[%dma_wait3A_45, %dma_wait3A_46] : memref<10240x128xf32, #tpu.memory_space<vmem_shared>> -> memref<10240x128xf32, #tpu.memory_space<vmem_shared>>
      tpu.wait_indirect_dma semaphore(%run_scoped3A : memref<!tpu.dma_semaphore, #tpu.memory_space<semaphore_mem>>) src(%arg11 : memref<168x128xf32, #tpu.memory_space<vmem>>) dst(%dma_wait3A_47 : memref<10240x128xf32, #tpu.memory_space<vmem_shared>>)
      tpu.yield
    }) : () -> ()
    %add3A_33 = arith.constant 0 : i32
    %add3A_34 = arith.addi %mul3A_4, %add3A_33 : i32
    %dma_wait3A_35 = tpu.memref_slice %arg3[%add3A_34] : memref<327936xi32, #tpu.memory_space<hbm>> -> memref<168xi32, #tpu.memory_space<hbm>>
    %dma_wait3A_36 = tpu.memref_slice %arg3[%add3A_34] : memref<327936xi32, #tpu.memory_space<hbm>> -> memref<168xi32, #tpu.memory_space<hbm>>
    tpu.wait_dma2 semaphore(%arg17 : memref<!tpu.dma_semaphore, #tpu.memory_space<semaphore_mem>>) src(%dma_wait3A_36 : memref<168xi32, #tpu.memory_space<hbm>>) dst(%arg9 : memref<168xi32, #tpu.memory_space<vmem>>)
    %add3A_37 = arith.constant 0 : i32
    %add3A_38 = arith.addi %mul3A_4, %add3A_37 : i32
    %dma_wait3A_39 = tpu.memref_slice %arg4[%add3A_38] : memref<327936xi32, #tpu.memory_space<hbm>> -> memref<168xi32, #tpu.memory_space<hbm>>
    %dma_wait3A_40 = tpu.memref_slice %arg4[%add3A_38] : memref<327936xi32, #tpu.memory_space<hbm>> -> memref<168xi32, #tpu.memory_space<hbm>>
    tpu.wait_dma2 semaphore(%arg19 : memref<!tpu.dma_semaphore, #tpu.memory_space<semaphore_mem>>) src(%dma_wait3A_40 : memref<168xi32, #tpu.memory_space<hbm>>) dst(%arg10 : memref<168xi32, #tpu.memory_space<vmem>>)
    %barrier3A_41 = arith.constant 0 : index
    tpu.barrier barrier_id(%barrier3A_41)
    "tpu.region"() ({
      %run_scoped3A = tpu.sem_alloc : memref<!tpu.dma_semaphore, #tpu.memory_space<semaphore_mem>>
      %dma_start3A_42 = arith.constant 0 : i32
      %dma_start3A_43 = tpu.memref_slice %arg6[%arg0, %mul3A_2, %dma_start3A_42] : memref<2x10240x128xf32, #tpu.memory_space<hbm>> -> memref<1x640x128xf32, #tpu.memory_space<hbm>>
      %dma_start3A_44 = tpu.memref_squeeze %dma_start3A_43 : memref<1x640x128xf32, #tpu.memory_space<hbm>> -> memref<640x128xf32, #tpu.memory_space<hbm>>
      %dma_start3A_45 = arith.constant 0 : i32
      %dma_start3A_46 = tpu.memref_slice %arg13[%mul3A_2, %dma_start3A_45] : memref<10240x128xf32, #tpu.memory_space<vmem_shared>> -> memref<640x128xf32, #tpu.memory_space<vmem_shared>>
      tpu.enqueue_dma source(%dma_start3A_46 : memref<640x128xf32, #tpu.memory_space<vmem_shared>>) target(%dma_start3A_44 : memref<640x128xf32, #tpu.memory_space<hbm>>) target_semaphore(%run_scoped3A : memref<!tpu.dma_semaphore, #tpu.memory_space<semaphore_mem>>)
      %dma_wait3A_47 = arith.constant 0 : i32
      %dma_wait3A_48 = tpu.memref_slice %arg6[%arg0, %mul3A_2, %dma_wait3A_47] : memref<2x10240x128xf32, #tpu.memory_space<hbm>> -> memref<1x640x128xf32, #tpu.memory_space<hbm>>
      %dma_wait3A_49 = tpu.memref_squeeze %dma_wait3A_48 : memref<1x640x128xf32, #tpu.memory_space<hbm>> -> memref<640x128xf32, #tpu.memory_space<hbm>>
      %dma_wait3A_50 = arith.constant 0 : i32
      %dma_wait3A_51 = tpu.memref_slice %arg13[%mul3A_2, %dma_wait3A_50] : memref<10240x128xf32, #tpu.memory_space<vmem_shared>> -> memref<640x128xf32, #tpu.memory_space<vmem_shared>>
      tpu.wait_dma2 semaphore(%run_scoped3A : memref<!tpu.dma_semaphore, #tpu.memory_space<semaphore_mem>>) src(%dma_wait3A_51 : memref<640x128xf32, #tpu.memory_space<vmem_shared>>) dst(%dma_wait3A_49 : memref<640x128xf32, #tpu.memory_space<hbm>>)
      tpu.yield
    }) : () -> ()
    return
  }
}

module attributes {stable_mosaic.version = 14 : i64} {
  func.func @_tc_prep_body(%arg0: memref<10000x128xf32, #tpu.memory_space<vmem>>, %arg1: memref<128x128xf32, #tpu.memory_space<vmem>>, %arg2: memref<2x10240xf32, #tpu.memory_space<vmem>>, %arg3: memref<10240x128xf32, #tpu.memory_space<vmem>>, %arg4: memref<1x10000xf32, #tpu.memory_space<vmem>>) attributes {dimension_semantics = [], scalar_prefetch = 0 : i64, scratch_operands = 0 : i64, tpu.core_type = #tpu.core_type<tc>} {
    %get3A = arith.constant 0 : index
    %get3A_0 = arith.constant 0 : index
    %get3A_1 = vector.load %arg2[%get3A, %get3A_0] : memref<2x10240xf32, #tpu.memory_space<vmem>>, vector<1x10000xf32>
    %get3A_2 = vector.shape_cast %get3A_1 : vector<1x10000xf32> to vector<10000xf32>
    %get3A_3 = arith.constant 1 : index
    %get3A_4 = arith.constant 0 : index
    %get3A_5 = vector.load %arg2[%get3A_3, %get3A_4] : memref<2x10240xf32, #tpu.memory_space<vmem>>, vector<1x10000xf32>
    %get3A_6 = vector.shape_cast %get3A_5 : vector<1x10000xf32> to vector<10000xf32>
    %add3A = arith.addf %get3A_2, %get3A_6 : vector<10000xf32>
    %add3A_7 = arith.constant 1.000000e+00 : f32
    %add3A_8 = vector.broadcast %add3A_7 : f32 to vector<10000xf32>
    %add3A_9 = arith.addf %add3A, %add3A_8 : vector<10000xf32>
    %rsqrt3A = math.rsqrt %add3A_9 : vector<10000xf32>
    %swap3A = arith.constant 0 : index
    %swap3A_10 = arith.constant 0 : index
    %swap3A_11 = vector.load %arg4[%swap3A, %swap3A_10] : memref<1x10000xf32, #tpu.memory_space<vmem>>, vector<1x10000xf32>
    %swap3A_12 = vector.shape_cast %swap3A_11 : vector<1x10000xf32> to vector<10000xf32>
    %swap3A_13 = vector.shape_cast %rsqrt3A : vector<10000xf32> to vector<1x10000xf32>
    tpu.vector_store %arg4[%swap3A, %swap3A_10], %swap3A_13 {strides = array<i32>} : memref<1x10000xf32, #tpu.memory_space<vmem>>, vector<1x10000xf32>,
    %get3A_14 = arith.constant 0 : index
    %get3A_15 = arith.constant 0 : index
    %get3A_16 = vector.load %arg0[%get3A_14, %get3A_15] : memref<10000x128xf32, #tpu.memory_space<vmem>>, vector<10000x128xf32>
    %get3A_17 = arith.constant 0 : index
    %get3A_18 = arith.constant 0 : index
    %get3A_19 = vector.load %arg1[%get3A_17, %get3A_18] : memref<128x128xf32, #tpu.memory_space<vmem>>, vector<128x128xf32>
    %dot_general3A = arith.constant dense<0.000000e+00> : vector<10000x128xf32>
    %dot_general3A_20 = tpu.matmul %get3A_16, %get3A_19, %dot_general3A {dimension_numbers = #tpu.dot_dimension_numbers<[1], [0], [0], [1], [0, 0, 1, 1], [], []>, transpose_lhs_hint = false} : vector<10000x128xf32>, vector<128x128xf32>, vector<10000x128xf32> -> vector<10000x128xf32>
    %broadcast_in_dim3A = vector.shape_cast %rsqrt3A : vector<10000xf32> to vector<10000x1xf32>
    %mul3A = vector.broadcast %broadcast_in_dim3A : vector<10000x1xf32> to vector<10000x128xf32>
    %mul3A_21 = arith.mulf %dot_general3A_20, %mul3A : vector<10000x128xf32>
    %swap3A_22 = arith.constant 0 : index
    %swap3A_23 = arith.constant 0 : index
    %swap3A_24 = vector.load %arg3[%swap3A_22, %swap3A_23] : memref<10240x128xf32, #tpu.memory_space<vmem>>, vector<10000x128xf32>
    tpu.vector_store %arg3[%swap3A_22, %swap3A_23], %mul3A_21 {strides = array<i32>} : memref<10240x128xf32, #tpu.memory_space<vmem>>, vector<10000x128xf32>,
    return
  }
}

module attributes {stable_mosaic.version = 14 : i64} {
  func.func @_tc_mid_body(%arg0: memref<2x10240x128xf32, #tpu.memory_space<vmem>>, %arg1: memref<10240x128xf32, #tpu.memory_space<vmem>>, %arg2: memref<1x10000xf32, #tpu.memory_space<vmem>>, %arg3: memref<1x128xf32, #tpu.memory_space<vmem>>, %arg4: memref<128x128xf32, #tpu.memory_space<vmem>>, %arg5: memref<10000x128xf32, #tpu.memory_space<vmem>>, %arg6: memref<10240x128xf32, #tpu.memory_space<vmem>>) attributes {dimension_semantics = [], scalar_prefetch = 0 : i64, scratch_operands = 0 : i64, tpu.core_type = #tpu.core_type<tc>} {
    %get3A = arith.constant 0 : index
    %get3A_0 = arith.constant 0 : index
    %get3A_1 = vector.load %arg2[%get3A, %get3A_0] : memref<1x10000xf32, #tpu.memory_space<vmem>>, vector<1x10000xf32>
    %get3A_2 = vector.shape_cast %get3A_1 : vector<1x10000xf32> to vector<10000xf32>
    %get3A_3 = arith.constant 0 : index
    %get3A_4 = arith.constant 0 : index
    %get3A_5 = arith.constant 0 : index
    %get3A_6 = vector.load %arg0[%get3A_3, %get3A_4, %get3A_5] : memref<2x10240x128xf32, #tpu.memory_space<vmem>>, vector<1x10000x128xf32>
    %get3A_7 = vector.shape_cast %get3A_6 : vector<1x10000x128xf32> to vector<10000x128xf32>
    %get3A_8 = arith.constant 1 : index
    %get3A_9 = arith.constant 0 : index
    %get3A_10 = arith.constant 0 : index
    %get3A_11 = vector.load %arg0[%get3A_8, %get3A_9, %get3A_10] : memref<2x10240x128xf32, #tpu.memory_space<vmem>>, vector<1x10000x128xf32>
    %get3A_12 = vector.shape_cast %get3A_11 : vector<1x10000x128xf32> to vector<10000x128xf32>
    %add3A = arith.addf %get3A_7, %get3A_12 : vector<10000x128xf32>
    %get3A_13 = arith.constant 0 : index
    %get3A_14 = arith.constant 0 : index
    %get3A_15 = vector.load %arg1[%get3A_13, %get3A_14] : memref<10240x128xf32, #tpu.memory_space<vmem>>, vector<10000x128xf32>
    %add3A_16 = arith.addf %add3A, %get3A_15 : vector<10000x128xf32>
    %broadcast_in_dim3A = vector.shape_cast %get3A_2 : vector<10000xf32> to vector<10000x1xf32>
    %mul3A = vector.broadcast %broadcast_in_dim3A : vector<10000x1xf32> to vector<10000x128xf32>
    %mul3A_17 = arith.mulf %add3A_16, %mul3A : vector<10000x128xf32>
    %get3A_18 = arith.constant 0 : index
    %get3A_19 = arith.constant 0 : index
    %get3A_20 = vector.load %arg3[%get3A_18, %get3A_19] : memref<1x128xf32, #tpu.memory_space<vmem>>, vector<1x128xf32>
    %add3A_21 = vector.broadcast %get3A_20 : vector<1x128xf32> to vector<10000x128xf32>
    %add3A_22 = arith.addf %mul3A_17, %add3A_21 : vector<10000x128xf32>
    %tanh3A = math.tanh %add3A_22 : vector<10000x128xf32>
    %swap3A = arith.constant 0 : index
    %swap3A_23 = arith.constant 0 : index
    %swap3A_24 = vector.load %arg5[%swap3A, %swap3A_23] : memref<10000x128xf32, #tpu.memory_space<vmem>>, vector<10000x128xf32>
    tpu.vector_store %arg5[%swap3A, %swap3A_23], %tanh3A {strides = array<i32>} : memref<10000x128xf32, #tpu.memory_space<vmem>>, vector<10000x128xf32>,
    %get3A_25 = arith.constant 0 : index
    %get3A_26 = arith.constant 0 : index
    %get3A_27 = vector.load %arg4[%get3A_25, %get3A_26] : memref<128x128xf32, #tpu.memory_space<vmem>>, vector<128x128xf32>
    %dot_general3A = arith.constant dense<0.000000e+00> : vector<10000x128xf32>
    %dot_general3A_28 = tpu.matmul %tanh3A, %get3A_27, %dot_general3A {dimension_numbers = #tpu.dot_dimension_numbers<[1], [0], [0], [1], [0, 0, 1, 1], [], []>, transpose_lhs_hint = false} : vector<10000x128xf32>, vector<128x128xf32>, vector<10000x128xf32> -> vector<10000x128xf32>
    %broadcast_in_dim3A_29 = vector.shape_cast %get3A_2 : vector<10000xf32> to vector<10000x1xf32>
    %mul3A_30 = vector.broadcast %broadcast_in_dim3A_29 : vector<10000x1xf32> to vector<10000x128xf32>
    %mul3A_31 = arith.mulf %dot_general3A_28, %mul3A_30 : vector<10000x128xf32>
    %swap3A_32 = arith.constant 0 : index
    %swap3A_33 = arith.constant 0 : index
    %swap3A_34 = vector.load %arg6[%swap3A_32, %swap3A_33] : memref<10240x128xf32, #tpu.memory_space<vmem>>, vector<10000x128xf32>
    tpu.vector_store %arg6[%swap3A_32, %swap3A_33], %mul3A_31 {strides = array<i32>} : memref<10240x128xf32, #tpu.memory_space<vmem>>, vector<10000x128xf32>,
    return
  }
}

module attributes {stable_mosaic.version = 14 : i64} {
  func.func @_tc_head_body(%arg0: memref<2x10240x128xf32, #tpu.memory_space<vmem>>, %arg1: memref<10240x128xf32, #tpu.memory_space<vmem>>, %arg2: memref<1x10000xf32, #tpu.memory_space<vmem>>, %arg3: memref<1x128xf32, #tpu.memory_space<vmem>>, %arg4: memref<10000x128xf32, #tpu.memory_space<vmem>>, %arg5: memref<1x10000xi32, #tpu.memory_space<vmem>>, %arg6: memref<64x512xf32, #tpu.memory_space<vmem>>, %arg7: memref<1x64xf32, #tpu.memory_space<vmem>>, %arg8: memref<512x100xf32, #tpu.memory_space<vmem>>, %arg9: memref<1x100xf32, #tpu.memory_space<vmem>>, %arg10: memref<256x128xf32, #tpu.memory_space<vmem>>, %arg11: memref<1x128xf32, #tpu.memory_space<vmem>>, %arg12: memref<228x1xf32, #tpu.memory_space<vmem>>, %arg13: memref<1x1xf32, #tpu.memory_space<vmem>>, %arg14: memref<100x1xf32, #tpu.memory_space<vmem>>, %arg15: memref<1x1xf32, #tpu.memory_space<vmem>>, %arg16: memref<128x1xf32, #tpu.memory_space<vmem>>, %arg17: memref<1x1xf32, #tpu.memory_space<vmem>>, %arg18: memref<1x64xf32, #tpu.memory_space<vmem>>, %arg19: memref<1x1xf32, #tpu.memory_space<vmem>>, %arg20: memref<1x1xf32, #tpu.memory_space<vmem>>, %arg21: memref<1x1xf32, #tpu.memory_space<vmem>>, %arg22: memref<1x1xf32, #tpu.memory_space<vmem>>, %arg23: memref<1x1xf32, #tpu.memory_space<vmem>>, %arg24: memref<64x128xf32, #tpu.memory_space<vmem>>) attributes {dimension_semantics = [], scalar_prefetch = 0 : i64, scratch_operands = 0 : i64, tpu.core_type = #tpu.core_type<tc>} {
    %get3A = arith.constant 0 : index
    %get3A_0 = arith.constant 0 : index
    %get3A_1 = vector.load %arg2[%get3A, %get3A_0] : memref<1x10000xf32, #tpu.memory_space<vmem>>, vector<1x10000xf32>
    %get3A_2 = vector.shape_cast %get3A_1 : vector<1x10000xf32> to vector<10000xf32>
    %get3A_3 = arith.constant 0 : index
    %get3A_4 = arith.constant 0 : index
    %get3A_5 = arith.constant 0 : index
    %get3A_6 = vector.load %arg0[%get3A_3, %get3A_4, %get3A_5] : memref<2x10240x128xf32, #tpu.memory_space<vmem>>, vector<1x10000x128xf32>
    %get3A_7 = vector.shape_cast %get3A_6 : vector<1x10000x128xf32> to vector<10000x128xf32>
    %get3A_8 = arith.constant 1 : index
    %get3A_9 = arith.constant 0 : index
    %get3A_10 = arith.constant 0 : index
    %get3A_11 = vector.load %arg0[%get3A_8, %get3A_9, %get3A_10] : memref<2x10240x128xf32, #tpu.memory_space<vmem>>, vector<1x10000x128xf32>
    %get3A_12 = vector.shape_cast %get3A_11 : vector<1x10000x128xf32> to vector<10000x128xf32>
    %add3A = arith.addf %get3A_7, %get3A_12 : vector<10000x128xf32>
    %get3A_13 = arith.constant 0 : index
    %get3A_14 = arith.constant 0 : index
    %get3A_15 = vector.load %arg1[%get3A_13, %get3A_14] : memref<10240x128xf32, #tpu.memory_space<vmem>>, vector<10000x128xf32>
    %add3A_16 = arith.addf %add3A, %get3A_15 : vector<10000x128xf32>
    %broadcast_in_dim3A = vector.shape_cast %get3A_2 : vector<10000xf32> to vector<10000x1xf32>
    %mul3A = vector.broadcast %broadcast_in_dim3A : vector<10000x1xf32> to vector<10000x128xf32>
    %mul3A_17 = arith.mulf %add3A_16, %mul3A : vector<10000x128xf32>
    %get3A_18 = arith.constant 0 : index
    %get3A_19 = arith.constant 0 : index
    %get3A_20 = vector.load %arg3[%get3A_18, %get3A_19] : memref<1x128xf32, #tpu.memory_space<vmem>>, vector<1x128xf32>
    %add3A_21 = vector.broadcast %get3A_20 : vector<1x128xf32> to vector<10000x128xf32>
    %add3A_22 = arith.addf %mul3A_17, %add3A_21 : vector<10000x128xf32>
    %tanh3A = math.tanh %add3A_22 : vector<10000x128xf32>
    %get3A_23 = arith.constant 0 : index
    %get3A_24 = arith.constant 0 : index
    %get3A_25 = vector.load %arg5[%get3A_23, %get3A_24] : memref<1x10000xi32, #tpu.memory_space<vmem>>, vector<1x10000xi32>
    %get3A_26 = vector.shape_cast %get3A_25 : vector<1x10000xi32> to vector<10000xi32>
    %iota3A = tpu.iota {dimensions = array<i32: 0>} : vector<64x10000xi32>
    %broadcast_in_dim3A_27 = vector.shape_cast %get3A_26 : vector<10000xi32> to vector<1x10000xi32>
    %lt3A = vector.broadcast %broadcast_in_dim3A_27 : vector<1x10000xi32> to vector<64x10000xi32>
    %lt3A_28 = arith.cmpi slt, %lt3A, %iota3A : vector<64x10000xi32>
    %convert_element_type3A = arith.extui %lt3A_28 : vector<64x10000xi1> to vector<64x10000xi32>
    %reduce_sum3A = arith.constant dense<0> : vector<64xi32>
    %reduce_sum3A_29 = vector.multi_reduction <add>, %convert_element_type3A, %reduce_sum3A [1] : vector<64x10000xi32> to vector<64xi32>
    %iota3A_30 = tpu.iota {dimensions = array<i32: 1>} : vector<64x10000xi32>
    %broadcast_in_dim3A_31 = vector.shape_cast %reduce_sum3A_29 : vector<64xi32> to vector<64x1xi32>
    %eq3A = vector.broadcast %broadcast_in_dim3A_31 : vector<64x1xi32> to vector<64x10000xi32>
    %eq3A_32 = arith.cmpi eq, %iota3A_30, %eq3A : vector<64x10000xi32>
    %convert_element_type3A_33 = arith.extui %eq3A_32 : vector<64x10000xi1> to vector<64x10000xi32>
    %convert_element_type3A_34 = arith.sitofp %convert_element_type3A_33 : vector<64x10000xi32> to vector<64x10000xf32>
    %get3A_35 = arith.constant 0 : index
    %get3A_36 = arith.constant 0 : index
    %get3A_37 = vector.load %arg4[%get3A_35, %get3A_36] : memref<10000x128xf32, #tpu.memory_space<vmem>>, vector<10000x128xf32>
    %dot_general3A = arith.constant dense<0.000000e+00> : vector<64x128xf32>
    %dot_general3A_38 = tpu.matmul %convert_element_type3A_34, %get3A_37, %dot_general3A {dimension_numbers = #tpu.dot_dimension_numbers<[1], [0], [0], [1], [0, 0, 1, 1], [], []>, transpose_lhs_hint = false} : vector<64x10000xf32>, vector<10000x128xf32>, vector<64x128xf32> -> vector<64x128xf32>
    %dot_general3A_39 = arith.constant dense<0.000000e+00> : vector<64x128xf32>
    %dot_general3A_40 = tpu.matmul %convert_element_type3A_34, %tanh3A, %dot_general3A_39 {dimension_numbers = #tpu.dot_dimension_numbers<[1], [0], [0], [1], [0, 0, 1, 1], [], []>, transpose_lhs_hint = false} : vector<64x10000xf32>, vector<10000x128xf32>, vector<64x128xf32> -> vector<64x128xf32>
    %concatenate3A = tpu.concatenate %dot_general3A_38, %dot_general3A_40 in 1 : vector<64x128xf32>, vector<64x128xf32> -> vector<64x256xf32>
    %get3A_41 = arith.constant 0 : index
    %get3A_42 = arith.constant 0 : index
    %get3A_43 = vector.load %arg6[%get3A_41, %get3A_42] : memref<64x512xf32, #tpu.memory_space<vmem>>, vector<64x512xf32>
    %get3A_44 = arith.constant 0 : index
    %get3A_45 = arith.constant 0 : index
    %get3A_46 = vector.load %arg8[%get3A_44, %get3A_45] : memref<512x100xf32, #tpu.memory_space<vmem>>, vector<512x100xf32>
    %dot_general3A_47 = arith.constant dense<0.000000e+00> : vector<64x100xf32>
    %dot_general3A_48 = tpu.matmul %get3A_43, %get3A_46, %dot_general3A_47 {dimension_numbers = #tpu.dot_dimension_numbers<[1], [0], [0], [1], [0, 0, 1, 1], [], []>, transpose_lhs_hint = false} : vector<64x512xf32>, vector<512x100xf32>, vector<64x100xf32> -> vector<64x100xf32>
    %get3A_49 = arith.constant 0 : index
    %get3A_50 = arith.constant 0 : index
    %get3A_51 = vector.load %arg9[%get3A_49, %get3A_50] : memref<1x100xf32, #tpu.memory_space<vmem>>, vector<1x100xf32>
    %add3A_52 = vector.broadcast %get3A_51 : vector<1x100xf32> to vector<64x100xf32>
    %add3A_53 = arith.addf %dot_general3A_48, %add3A_52 : vector<64x100xf32>
    %tanh3A_54 = math.tanh %add3A_53 : vector<64x100xf32>
    %get3A_55 = arith.constant 0 : index
    %get3A_56 = arith.constant 0 : index
    %get3A_57 = vector.load %arg10[%get3A_55, %get3A_56] : memref<256x128xf32, #tpu.memory_space<vmem>>, vector<256x128xf32>
    %dot_general3A_58 = arith.constant dense<0.000000e+00> : vector<64x128xf32>
    %dot_general3A_59 = tpu.matmul %concatenate3A, %get3A_57, %dot_general3A_58 {dimension_numbers = #tpu.dot_dimension_numbers<[1], [0], [0], [1], [0, 0, 1, 1], [], []>, transpose_lhs_hint = false} : vector<64x256xf32>, vector<256x128xf32>, vector<64x128xf32> -> vector<64x128xf32>
    %get3A_60 = arith.constant 0 : index
    %get3A_61 = arith.constant 0 : index
    %get3A_62 = vector.load %arg11[%get3A_60, %get3A_61] : memref<1x128xf32, #tpu.memory_space<vmem>>, vector<1x128xf32>
    %add3A_63 = vector.broadcast %get3A_62 : vector<1x128xf32> to vector<64x128xf32>
    %add3A_64 = arith.addf %dot_general3A_59, %add3A_63 : vector<64x128xf32>
    %swap3A = arith.constant 0 : index
    %swap3A_65 = arith.constant 0 : index
    %swap3A_66 = vector.load %arg24[%swap3A, %swap3A_65] : memref<64x128xf32, #tpu.memory_space<vmem>>, vector<64x128xf32>
    tpu.vector_store %arg24[%swap3A, %swap3A_65], %add3A_64 {strides = array<i32>} : memref<64x128xf32, #tpu.memory_space<vmem>>, vector<64x128xf32>,
    %concatenate3A_67 = tpu.concatenate %tanh3A_54, %add3A_64 in 1 : vector<64x100xf32>, vector<64x128xf32> -> vector<64x228xf32>
    %max3A = arith.constant 0.000000e+00 : f32
    %max3A_68 = vector.broadcast %max3A : f32 to vector<64x228xf32>
    %max3A_69 = arith.maximumf %concatenate3A_67, %max3A_68 : vector<64x228xf32>
    %max3A_70 = arith.constant 0.000000e+00 : f32
    %max3A_71 = vector.broadcast %max3A_70 : f32 to vector<64x100xf32>
    %max3A_72 = arith.maximumf %tanh3A_54, %max3A_71 : vector<64x100xf32>
    %max3A_73 = arith.constant 0.000000e+00 : f32
    %max3A_74 = vector.broadcast %max3A_73 : f32 to vector<64x128xf32>
    %max3A_75 = arith.maximumf %add3A_64, %max3A_74 : vector<64x128xf32>
    %get3A_76 = arith.constant 0 : index
    %get3A_77 = arith.constant 0 : index
    %get3A_78 = vector.load %arg7[%get3A_76, %get3A_77] : memref<1x64xf32, #tpu.memory_space<vmem>>, vector<1x64xf32>
    %get3A_79 = vector.shape_cast %get3A_78 : vector<1x64xf32> to vector<64xf32>
    %get3A_80 = arith.constant 0 : index
    %get3A_81 = arith.constant 0 : index
    %get3A_82 = vector.load %arg14[%get3A_80, %get3A_81] : memref<100x1xf32, #tpu.memory_space<vmem>>, vector<100x1xf32>
    %dot_general3A_83 = arith.constant dense<0.000000e+00> : vector<64x1xf32>
    %dot_general3A_84 = tpu.matmul %max3A_72, %get3A_82, %dot_general3A_83 {dimension_numbers = #tpu.dot_dimension_numbers<[1], [0], [0], [1], [0, 0, 1, 1], [], []>, transpose_lhs_hint = false} : vector<64x100xf32>, vector<100x1xf32>, vector<64x1xf32> -> vector<64x1xf32>
    %get3A_85 = arith.constant 0 : index
    %get3A_86 = arith.constant 0 : index
    %get3A_87 = vector.load %arg15[%get3A_85, %get3A_86] : memref<1x1xf32, #tpu.memory_space<vmem>>, vector<1x1xf32>
    %add3A_88 = vector.broadcast %get3A_87 : vector<1x1xf32> to vector<64x1xf32>
    %add3A_89 = arith.addf %dot_general3A_84, %add3A_88 : vector<64x1xf32>
    %logistic3A = arith.negf %add3A_89 : vector<64x1xf32>
    %logistic3A_90 = math.exp %logistic3A : vector<64x1xf32>
    %logistic3A_91 = arith.constant 1.000000e+00 : f32
    %logistic3A_92 = vector.broadcast %logistic3A_91 : f32 to vector<64x1xf32>
    %logistic3A_93 = arith.addf %logistic3A_92, %logistic3A_90 : vector<64x1xf32>
    %logistic3A_94 = arith.divf %logistic3A_92, %logistic3A_93 : vector<64x1xf32>
    %squeeze3A = vector.shape_cast %logistic3A_94 : vector<64x1xf32> to vector<64xf32>
    %get3A_95 = arith.constant 0 : index
    %get3A_96 = arith.constant 0 : index
    %get3A_97 = vector.load %arg16[%get3A_95, %get3A_96] : memref<128x1xf32, #tpu.memory_space<vmem>>, vector<128x1xf32>
    %dot_general3A_98 = arith.constant dense<0.000000e+00> : vector<64x1xf32>
    %dot_general3A_99 = tpu.matmul %max3A_75, %get3A_97, %dot_general3A_98 {dimension_numbers = #tpu.dot_dimension_numbers<[1], [0], [0], [1], [0, 0, 1, 1], [], []>, transpose_lhs_hint = false} : vector<64x128xf32>, vector<128x1xf32>, vector<64x1xf32> -> vector<64x1xf32>
    %get3A_100 = arith.constant 0 : index
    %get3A_101 = arith.constant 0 : index
    %get3A_102 = vector.load %arg17[%get3A_100, %get3A_101] : memref<1x1xf32, #tpu.memory_space<vmem>>, vector<1x1xf32>
    %add3A_103 = vector.broadcast %get3A_102 : vector<1x1xf32> to vector<64x1xf32>
    %add3A_104 = arith.addf %dot_general3A_99, %add3A_103 : vector<64x1xf32>
    %logistic3A_105 = arith.negf %add3A_104 : vector<64x1xf32>
    %logistic3A_106 = math.exp %logistic3A_105 : vector<64x1xf32>
    %logistic3A_107 = arith.constant 1.000000e+00 : f32
    %logistic3A_108 = vector.broadcast %logistic3A_107 : f32 to vector<64x1xf32>
    %logistic3A_109 = arith.addf %logistic3A_108, %logistic3A_106 : vector<64x1xf32>
    %logistic3A_110 = arith.divf %logistic3A_108, %logistic3A_109 : vector<64x1xf32>
    %squeeze3A_111 = vector.shape_cast %logistic3A_110 : vector<64x1xf32> to vector<64xf32>
    %get3A_112 = arith.constant 0 : index
    %get3A_113 = arith.constant 0 : index
    %get3A_114 = vector.load %arg12[%get3A_112, %get3A_113] : memref<228x1xf32, #tpu.memory_space<vmem>>, vector<228x1xf32>
    %dot_general3A_115 = arith.constant dense<0.000000e+00> : vector<64x1xf32>
    %dot_general3A_116 = tpu.matmul %max3A_69, %get3A_114, %dot_general3A_115 {dimension_numbers = #tpu.dot_dimension_numbers<[1], [0], [0], [1], [0, 0, 1, 1], [], []>, transpose_lhs_hint = false} : vector<64x228xf32>, vector<228x1xf32>, vector<64x1xf32> -> vector<64x1xf32>
    %get3A_117 = arith.constant 0 : index
    %get3A_118 = arith.constant 0 : index
    %get3A_119 = vector.load %arg13[%get3A_117, %get3A_118] : memref<1x1xf32, #tpu.memory_space<vmem>>, vector<1x1xf32>
    %add3A_120 = vector.broadcast %get3A_119 : vector<1x1xf32> to vector<64x1xf32>
    %add3A_121 = arith.addf %dot_general3A_116, %add3A_120 : vector<64x1xf32>
    %logistic3A_122 = arith.negf %add3A_121 : vector<64x1xf32>
    %logistic3A_123 = math.exp %logistic3A_122 : vector<64x1xf32>
    %logistic3A_124 = arith.constant 1.000000e+00 : f32
    %logistic3A_125 = vector.broadcast %logistic3A_124 : f32 to vector<64x1xf32>
    %logistic3A_126 = arith.addf %logistic3A_125, %logistic3A_123 : vector<64x1xf32>
    %logistic3A_127 = arith.divf %logistic3A_125, %logistic3A_126 : vector<64x1xf32>
    %squeeze3A_128 = vector.shape_cast %logistic3A_127 : vector<64x1xf32> to vector<64xf32>
    %jit3A = arith.constant 1.000000e-07 : f32
    %jit3A_129 = arith.constant 0.99999988 : f32
    %max3A_130 = vector.broadcast %jit3A : f32 to vector<64xf32>
    %max3A_131 = arith.maximumf %max3A_130, %squeeze3A : vector<64xf32>
    %min3A = vector.broadcast %jit3A_129 : f32 to vector<64xf32>
    %min3A_132 = arith.minimumf %min3A, %max3A_131 : vector<64xf32>
    %log3A = math.log %min3A_132 : vector<64xf32>
    %mul3A_133 = arith.mulf %get3A_79, %log3A : vector<64xf32>
    %sub3A = arith.constant 1.000000e+00 : f32
    %sub3A_134 = vector.broadcast %sub3A : f32 to vector<64xf32>
    %sub3A_135 = arith.subf %sub3A_134, %get3A_79 : vector<64xf32>
    %sub3A_136 = arith.constant 1.000000e+00 : f32
    %sub3A_137 = vector.broadcast %sub3A_136 : f32 to vector<64xf32>
    %sub3A_138 = arith.subf %sub3A_137, %min3A_132 : vector<64xf32>
    %log3A_139 = math.log %sub3A_138 : vector<64xf32>
    %mul3A_140 = arith.mulf %sub3A_135, %log3A_139 : vector<64xf32>
    %add3A_141 = arith.addf %mul3A_133, %mul3A_140 : vector<64xf32>
    %reduce_sum3A_142 = vector.shape_cast %add3A_141 : vector<64xf32> to vector<1x64xf32>
    %reduce_sum3A_143 = arith.constant dense<0.000000e+00> : vector<1xf32>
    %reduce_sum3A_144 = vector.multi_reduction <add>, %reduce_sum3A_142, %reduce_sum3A_143 [1] : vector<1x64xf32> to vector<1xf32>
    %reduce_sum3A_145 = vector.shape_cast %reduce_sum3A_144 : vector<1xf32> to vector<1x1xf32>
    %reduce_sum3A_146 = vector.extract %reduce_sum3A_145[0, 0] : f32 from vector<1x1xf32>
    %div3A = arith.constant 6.400000e+01 : f32
    %div3A_147 = arith.divf %reduce_sum3A_146, %div3A : f32
    %neg3A = arith.constant 0.000000e+00 : f32
    %neg3A_148 = arith.subf %neg3A, %div3A_147 : f32
    %jit3A_149 = arith.constant 1.000000e-07 : f32
    %jit3A_150 = arith.constant 0.99999988 : f32
    %max3A_151 = vector.broadcast %jit3A_149 : f32 to vector<64xf32>
    %max3A_152 = arith.maximumf %max3A_151, %squeeze3A_111 : vector<64xf32>
    %min3A_153 = vector.broadcast %jit3A_150 : f32 to vector<64xf32>
    %min3A_154 = arith.minimumf %min3A_153, %max3A_152 : vector<64xf32>
    %log3A_155 = math.log %min3A_154 : vector<64xf32>
    %mul3A_156 = arith.mulf %get3A_79, %log3A_155 : vector<64xf32>
    %sub3A_157 = arith.constant 1.000000e+00 : f32
    %sub3A_158 = vector.broadcast %sub3A_157 : f32 to vector<64xf32>
    %sub3A_159 = arith.subf %sub3A_158, %get3A_79 : vector<64xf32>
    %sub3A_160 = arith.constant 1.000000e+00 : f32
    %sub3A_161 = vector.broadcast %sub3A_160 : f32 to vector<64xf32>
    %sub3A_162 = arith.subf %sub3A_161, %min3A_154 : vector<64xf32>
    %log3A_163 = math.log %sub3A_162 : vector<64xf32>
    %mul3A_164 = arith.mulf %sub3A_159, %log3A_163 : vector<64xf32>
    %add3A_165 = arith.addf %mul3A_156, %mul3A_164 : vector<64xf32>
    %reduce_sum3A_166 = vector.shape_cast %add3A_165 : vector<64xf32> to vector<1x64xf32>
    %reduce_sum3A_167 = arith.constant dense<0.000000e+00> : vector<1xf32>
    %reduce_sum3A_168 = vector.multi_reduction <add>, %reduce_sum3A_166, %reduce_sum3A_167 [1] : vector<1x64xf32> to vector<1xf32>
    %reduce_sum3A_169 = vector.shape_cast %reduce_sum3A_168 : vector<1xf32> to vector<1x1xf32>
    %reduce_sum3A_170 = vector.extract %reduce_sum3A_169[0, 0] : f32 from vector<1x1xf32>
    %div3A_171 = arith.constant 6.400000e+01 : f32
    %div3A_172 = arith.divf %reduce_sum3A_170, %div3A_171 : f32
    %neg3A_173 = arith.constant 0.000000e+00 : f32
    %neg3A_174 = arith.subf %neg3A_173, %div3A_172 : f32
    %jit3A_175 = arith.constant 1.000000e-07 : f32
    %jit3A_176 = arith.constant 0.99999988 : f32
    %max3A_177 = vector.broadcast %jit3A_175 : f32 to vector<64xf32>
    %max3A_178 = arith.maximumf %max3A_177, %squeeze3A_128 : vector<64xf32>
    %min3A_179 = vector.broadcast %jit3A_176 : f32 to vector<64xf32>
    %min3A_180 = arith.minimumf %min3A_179, %max3A_178 : vector<64xf32>
    %log3A_181 = math.log %min3A_180 : vector<64xf32>
    %mul3A_182 = arith.mulf %get3A_79, %log3A_181 : vector<64xf32>
    %sub3A_183 = arith.constant 1.000000e+00 : f32
    %sub3A_184 = vector.broadcast %sub3A_183 : f32 to vector<64xf32>
    %sub3A_185 = arith.subf %sub3A_184, %get3A_79 : vector<64xf32>
    %sub3A_186 = arith.constant 1.000000e+00 : f32
    %sub3A_187 = vector.broadcast %sub3A_186 : f32 to vector<64xf32>
    %sub3A_188 = arith.subf %sub3A_187, %min3A_180 : vector<64xf32>
    %log3A_189 = math.log %sub3A_188 : vector<64xf32>
    %mul3A_190 = arith.mulf %sub3A_185, %log3A_189 : vector<64xf32>
    %add3A_191 = arith.addf %mul3A_182, %mul3A_190 : vector<64xf32>
    %reduce_sum3A_192 = vector.shape_cast %add3A_191 : vector<64xf32> to vector<1x64xf32>
    %reduce_sum3A_193 = arith.constant dense<0.000000e+00> : vector<1xf32>
    %reduce_sum3A_194 = vector.multi_reduction <add>, %reduce_sum3A_192, %reduce_sum3A_193 [1] : vector<1x64xf32> to vector<1xf32>
    %reduce_sum3A_195 = vector.shape_cast %reduce_sum3A_194 : vector<1xf32> to vector<1x1xf32>
    %reduce_sum3A_196 = vector.extract %reduce_sum3A_195[0, 0] : f32 from vector<1x1xf32>
    %div3A_197 = arith.constant 6.400000e+01 : f32
    %div3A_198 = arith.divf %reduce_sum3A_196, %div3A_197 : f32
    %neg3A_199 = arith.constant 0.000000e+00 : f32
    %neg3A_200 = arith.subf %neg3A_199, %div3A_198 : f32
    %reshape3A = vector.shape_cast %squeeze3A_128 : vector<64xf32> to vector<1x64xf32>
    %swap3A_201 = arith.constant 0 : index
    %swap3A_202 = arith.constant 0 : index
    %swap3A_203 = vector.load %arg18[%swap3A_201, %swap3A_202] : memref<1x64xf32, #tpu.memory_space<vmem>>, vector<1x64xf32>
    tpu.vector_store %arg18[%swap3A_201, %swap3A_202], %reshape3A {strides = array<i32>} : memref<1x64xf32, #tpu.memory_space<vmem>>, vector<1x64xf32>,
    %reshape3A_204 = vector.broadcast %neg3A_148 : f32 to vector<1x1xf32>
    %swap3A_205 = arith.constant 0 : index
    %swap3A_206 = arith.constant 0 : index
    %swap3A_207 = vector.load %arg21[%swap3A_205, %swap3A_206] : memref<1x1xf32, #tpu.memory_space<vmem>>, vector<1x1xf32>
    tpu.vector_store %arg21[%swap3A_205, %swap3A_206], %reshape3A_204 {strides = array<i32>} : memref<1x1xf32, #tpu.memory_space<vmem>>, vector<1x1xf32>,
    %reshape3A_208 = vector.broadcast %neg3A_174 : f32 to vector<1x1xf32>
    %swap3A_209 = arith.constant 0 : index
    %swap3A_210 = arith.constant 0 : index
    %swap3A_211 = vector.load %arg22[%swap3A_209, %swap3A_210] : memref<1x1xf32, #tpu.memory_space<vmem>>, vector<1x1xf32>
    tpu.vector_store %arg22[%swap3A_209, %swap3A_210], %reshape3A_208 {strides = array<i32>} : memref<1x1xf32, #tpu.memory_space<vmem>>, vector<1x1xf32>,
    %reshape3A_212 = vector.broadcast %neg3A_200 : f32 to vector<1x1xf32>
    %swap3A_213 = arith.constant 0 : index
    %swap3A_214 = arith.constant 0 : index
    %swap3A_215 = vector.load %arg23[%swap3A_213, %swap3A_214] : memref<1x1xf32, #tpu.memory_space<vmem>>, vector<1x1xf32>
    tpu.vector_store %arg23[%swap3A_213, %swap3A_214], %reshape3A_212 {strides = array<i32>} : memref<1x1xf32, #tpu.memory_space<vmem>>, vector<1x1xf32>,
    %mul3A_216 = arith.constant 5.000000e-01 : f32
    %mul3A_217 = arith.mulf %mul3A_216, %neg3A_148 : f32
    %mul3A_218 = arith.constant 5.000000e-01 : f32
    %mul3A_219 = arith.mulf %mul3A_218, %neg3A_174 : f32
    %add3A_220 = arith.addf %mul3A_217, %mul3A_219 : f32
    %add3A_221 = arith.addf %add3A_220, %neg3A_200 : f32
    %reshape3A_222 = vector.broadcast %add3A_221 : f32 to vector<1x1xf32>
    %swap3A_223 = arith.constant 0 : index
    %swap3A_224 = arith.constant 0 : index
    %swap3A_225 = vector.load %arg19[%swap3A_223, %swap3A_224] : memref<1x1xf32, #tpu.memory_space<vmem>>, vector<1x1xf32>
    tpu.vector_store %arg19[%swap3A_223, %swap3A_224], %reshape3A_222 {strides = array<i32>} : memref<1x1xf32, #tpu.memory_space<vmem>>, vector<1x1xf32>,
    %gt3A = arith.constant 0.699999988 : f32
    %gt3A_226 = vector.broadcast %gt3A : f32 to vector<64xf32>
    %gt3A_227 = arith.cmpf ogt, %squeeze3A_128, %gt3A_226 : vector<64xf32>
    %convert_element_type3A_228 = arith.extui %gt3A_227 : vector<64xi1> to vector<64xi32>
    %convert_element_type3A_229 = arith.sitofp %convert_element_type3A_228 : vector<64xi32> to vector<64xf32>
    %eq3A_230 = arith.cmpf oeq, %convert_element_type3A_229, %get3A_79 : vector<64xf32>
    %convert_element_type3A_231 = arith.extui %eq3A_230 : vector<64xi1> to vector<64xi32>
    %convert_element_type3A_232 = arith.sitofp %convert_element_type3A_231 : vector<64xi32> to vector<64xf32>
    %reduce_sum3A_233 = vector.shape_cast %convert_element_type3A_232 : vector<64xf32> to vector<1x64xf32>
    %reduce_sum3A_234 = arith.constant dense<0.000000e+00> : vector<1xf32>
    %reduce_sum3A_235 = vector.multi_reduction <add>, %reduce_sum3A_233, %reduce_sum3A_234 [1] : vector<1x64xf32> to vector<1xf32>
    %reduce_sum3A_236 = vector.shape_cast %reduce_sum3A_235 : vector<1xf32> to vector<1x1xf32>
    %reduce_sum3A_237 = vector.extract %reduce_sum3A_236[0, 0] : f32 from vector<1x1xf32>
    %div3A_238 = arith.constant 6.400000e+01 : f32
    %div3A_239 = arith.divf %reduce_sum3A_237, %div3A_238 : f32
    %reshape3A_240 = vector.broadcast %div3A_239 : f32 to vector<1x1xf32>
    %swap3A_241 = arith.constant 0 : index
    %swap3A_242 = arith.constant 0 : index
    %swap3A_243 = vector.load %arg20[%swap3A_241, %swap3A_242] : memref<1x1xf32, #tpu.memory_space<vmem>>, vector<1x1xf32>
    tpu.vector_store %arg20[%swap3A_241, %swap3A_242], %reshape3A_240 {strides = array<i32>} : memref<1x1xf32, #tpu.memory_space<vmem>>, vector<1x1xf32>,
    return
  }
}

</mosaic_0001>

<sc_bundles>
// kernel: kernel.11.cloned.1.call-start
scs
__scs_entry_jumppad:
0x0: {  	(pc) =	sbr.rel $0x88, $3  }
0x1: {  	(tag) =	ssettag $0x0;
	lr =	simm.s32 $0x1  }
0x2: {  	[smem:$0x3F8E] =	sst lr;
	_ =	strace $0xD0000000  }
0x3: {  	_ = 	snop  }
0x4: {  	_ = 	snop  }
0x5: {  	_ = 	snop  }
0x6: {  	_ = 	snop  }
0x7: {  	_ = 	snop  }
__scs_overlays_trampoline_lowered:
0x8: {  	[smem:$0x3F9D] =	sst s0  }
0x9: {  	[smem:$0x3F9E] =	sst s1  }
0xa: {  	[smem:$0x3F9F] =	sst s2  }
0xb: {  	[smem:$0x3FA0] =	sst s3  }
0xc: {  	[smem:$0x3FA1] =	sst s4  }
0xd: {  	[smem:$0x3FA2] =	sst s5  }
0xe: {  	[smem:$0x3FA3] =	sst s6  }
0xf: {  	[smem:$0x3FA4] =	sst s7  }
0x10: {  	[smem:$0x3FA5] =	sst s8  }
0x11: {  	[smem:$0x3FA6] =	sst s9;
	s0 =	simm.s32 @!p0 $0x0  }
0x12: {  	s1 =	sld [smem:$0x3F8C];
	s0 =	simm.s32 @p0 $0x1  }
0x13: {  	[smem:$0x3FA7] =	sst s0;
	s0 =	simm.s32 @!p1 $0x0  }
0x14: {  	s2 =	sld [smem:$0x3F8B];
	s0 =	simm.s32 @p1 $0x1  }
0x15: {  	[smem:$0x3FA8] =	sst s0;
	s0 =	simm.s32 @!p2 $0x0  }
0x16: {  	s3 =	sld [smem:$0x3FDB];
	s0 =	simm.s32 @p2 $0x1  }
0x17: {  	s4 =	simm.s32 $0x1BF5;
	[smem:$0x3FAA] =	sst s0  }
0x18: {  	s0 =	sld [smem:$0x3F8D];
	_ =	swait.ge [sflag:s4], $0x0  }
0x19: {  	s7 =	sld [smem:$0x3F8E]  }
0x1a: {  	s8 =	sadd.s32 $0xFFFFE003, lr  }
0x1b: {  	s9 =	sadd.s32 $0xFFFFFEF7, lr;
	s5 =	simm.s32 $0xFFFFFFFF;
	p2 =	slt.u32 s8, $0xFFFFF086  }
0x1c: {  	p1 =	slt.u32 s9, $0xF7A;
	s5 =	simm.s32 @!p2 $0x0  }
0x1d: {  	s5 =	simm.s32 @p1 $0x1;
	p0 =	seq.s32 s7, s2  }
0x1e: {  	s7 =	smul.u32 @!p0 $0xF7A, s2;
	p2 =	seq.s32 @!p0 s5, $0x0  }
0x1f: {  	s9 =	smul.u32 $0xF7A, s1;
	s8 =	simm.s32 @!p0 $0x1BF5;
	p2 =	por !p2, p0  }
0x20: {  	[sflag:s8] =	ssyncset.s32 @!p0 $0xFFFFF086;
	s6 =	sadd.s32 @!p0 s3, s7;
	s7 =	simm.s32 @!p0 $0x108  }
0x21: {  	s3 =	sadd.s32 s3, s9;
	s6 =	sadd.s32 @!p0 $0x88, s6;
	s7 =	simm.s32 @p2 $0x1082  }
0x22: {  	[simem:s7], [sflag:s8] =	dma.local @!p0 [hbm:s6], $0xF7A  }
0x23: {  	s9 =	sor.u32 $0xD0000000, s2;
	s6 =	simm.s32 $0x108;
	_ =	swait.ge @!p0 [sflag:s8], $0x0  }
0x24: {  	s3 =	sadd.s32 $0x88, s3;
	s6 =	simm.s32 @!p1 $0x1082;
	[sflag:s4] =	ssyncset.s32 $0xFFFFF086  }
0x25: {  	[simem:s6], [sflag:s4] =	dma.local [hbm:s3], $0xF7A  }
0x26: {  	[smem:$0x3F8E] =	sst s1;
	(tag) =	ssettag s2;
	_ =	strace s9  }
0x27: {  	s1 =	sld [smem:$0x3F9E]  }
0x28: {  	s2 =	sld [smem:$0x3F9F]  }
0x29: {  	s4 =	sld [smem:$0x3FA1]  }
0x2a: {  	p0 =	seq.s32 s5, $0x0;
	s5 =	sld [smem:$0x3FA2]  }
0x2b: {  	s6 =	sld [smem:$0x3FA3]  }
0x2c: {  	s7 =	sld [smem:$0x3FA4]  }
0x2d: {  	s3 =	simm.s32 $0x108;
	s8 =	sld [smem:$0x3FA5]  }
0x2e: {  	s3 =	simm.s32 @!p0 $0x1082;
	s9 =	sld [smem:$0x3FA6]  }
0x2f: {  	lr =	sadd.s32 s0, s3;
	s0 =	sld [smem:$0x3F9D]  }
0x30: {  	s3 =	sld [smem:$0x3FA0]  }
0x31: {  	[smem:$0x3FA9] =	sst s10  }
0x32: {  	s10 =	sld [smem:$0x3FA7];
	_ =	sdelay $0x3  }
0x33: {  	p0 =	seq.s32 s10, $0x1;
	s10 =	sld [smem:$0x3FA9];
	_ =	sdelay $0x3  }
0x34: {  	[smem:$0x3FA9] =	sst s10  }
0x35: {  	s10 =	sld [smem:$0x3FA8];
	_ =	sdelay $0x3  }
0x36: {  	p1 =	seq.s32 s10, $0x1;
	s10 =	sld [smem:$0x3FA9];
	_ =	sdelay $0x3  }
0x37: {  	[smem:$0x3FA9] =	sst s10  }
0x38: {  	s10 =	sld [smem:$0x3FAA]  }
0x39: {  	_ = 	snop;
	(pc) =	sbr.ind lr, $3  }
0x3a: {  	_ = 	snop  }
0x3b: {  	_ = 	snop  }
0x3c: {  	p2 =	seq.s32 s10, $0x1;
	s10 =	sld [smem:$0x3FA9]  }
0x3d: {  	_ =	shalt  }
0x3e: {  	_ =	shalt  }
0x3f: {  	_ =	shalt  }
0x40: {  	_ =	shalt  }
0x41: {  	_ =	shalt  }
0x42: {  	_ =	shalt  }
0x43: {  	_ =	shalt  }
0x44: {  	_ =	shalt  }
0x45: {  	_ =	shalt  }
0x46: {  	_ =	shalt  }
0x47: {  	_ =	shalt  }
0x48: {  	_ =	shalt  }
0x49: {  	_ =	shalt  }
0x4a: {  	_ =	shalt  }
0x4b: {  	_ =	shalt  }
0x4c: {  	_ =	shalt  }
0x4d: {  	_ =	shalt  }
0x4e: {  	_ =	shalt  }
0x4f: {  	_ =	shalt  }
0x50: {  	_ =	shalt  }
0x51: {  	_ =	shalt  }
0x52: {  	_ =	shalt  }
0x53: {  	_ =	shalt  }
0x54: {  	_ =	shalt  }
0x55: {  	_ =	shalt  }
0x56: {  	_ =	shalt  }
0x57: {  	_ =	shalt  }
0x58: {  	_ =	shalt  }
0x59: {  	_ =	shalt  }
0x5a: {  	_ =	shalt  }
0x5b: {  	_ =	shalt  }
0x5c: {  	_ =	shalt  }
0x5d: {  	_ =	shalt  }
0x5e: {  	_ =	shalt  }
0x5f: {  	_ =	shalt  }
0x60: {  	_ =	shalt  }
0x61: {  	_ =	shalt  }
0x62: {  	_ =	shalt  }
0x63: {  	_ =	shalt  }
0x64: {  	_ =	shalt  }
0x65: {  	_ =	shalt  }
0x66: {  	_ =	shalt  }
0x67: {  	_ =	shalt  }
0x68: {  	_ =	shalt  }
0x69: {  	_ =	shalt  }
0x6a: {  	_ =	shalt  }
0x6b: {  	_ =	shalt  }
0x6c: {  	_ =	shalt  }
0x6d: {  	_ =	shalt  }
0x6e: {  	_ =	shalt  }
0x6f: {  	_ =	shalt  }
0x70: {  	_ =	shalt  }
0x71: {  	_ =	shalt  }
0x72: {  	_ =	shalt  }
0x73: {  	_ =	shalt  }
0x74: {  	_ =	shalt  }
0x75: {  	_ =	shalt  }
0x76: {  	_ =	shalt  }
0x77: {  	_ =	shalt  }
0x78: {  	_ =	shalt  }
0x79: {  	_ =	shalt  }
0x7a: {  	_ =	shalt  }
0x7b: {  	_ =	shalt  }
0x7c: {  	_ =	shalt  }
0x7d: {  	_ =	shalt  }
0x7e: {  	_ =	shalt  }
0x7f: {  	_ =	shalt  }
0x80: {  	_ =	shalt  }
0x81: {  	_ =	shalt  }
0x82: {  	_ =	shalt  }
0x83: {  	_ =	shalt  }
0x84: {  	_ =	shalt  }
0x85: {  	_ =	shalt  }
0x86: {  	_ =	shalt  }
0x87: {  	_ =	shalt  }
.Lfunc_end0:
.L_simem_size_0:
called_computation.1_lowered:
.L_overlay_start_0:
0x88: {  	s2 =	sld [smem:$0x3FD9]  }
0x89: {  	s3 =	sld [smem:$0x3FFE];
	_ =	sdelay $0x1  }
0x8a: {  	s1 =	srdreg.scid  }
0x8b: {  	s0 =	sand.u32 $0x1, s1  }
0x8c: {  	s16 =	sshll.u32 s0, $0xA;
	s2 =	sadd.s32 s3, s2  }
0x8d: {  	s2 =	sadd.s32 s2, s16  }
0x8e: {  	[smem:$0x3FB5] =	sst s2  }
0x8f: {  	_ = 	snop  }
0x90: {  	(tm) =	ssettm $0x1  }
0x91: {  	s17 =	sld [smem:$0x3FFB];
	_ =	sdelay $0x3  }
0x92: {  	_ =	strace s17  }
0x93: {  	s2 =	sld [smem:$0x3FFC];
	_ =	sdelay $0x3  }
0x94: {  	_ =	strace s2  }
0x95: {  	s2 =	sld [smem:$0x3FFD];
	_ =	sdelay $0x3  }
0x96: {  	_ =	strace s2  }
0x97: {  	_ =	strace $0x8FFFFFFF  }
0x98: {  	s18 =	sld [smem:$0x3FDB];
	_ =	sdelay $0x1  }
0x99: {  	s19 =	simm.s32 $_scs_section_size  }
0x9a: {  	s4 =	simm.s32 $_size__tile_overlayer_lowered;
	s5 =	simm.s32 $_tile_overlayer_lowered  }
0x9b: {  	s22 =	simm.s32 $0x1BFF;
	s21 =	sshll.u32 s5, $0x1;
	s2 =	sadd.s32 s19, s18  }
0x9c: {  	s6 =	simm.s32 $0x0;
	s20 =	sshll.u32 s4, $0x1;
	s4 =	sadd.s32 s21, s2  }
0x9d: {  	[timem:s6], [sflag:s22] =	dma.local [hbm:s4], s20  }
0x9e: {  	_ =	swait.ge [sflag:s22], s20  }
0x9f: {  	s3 =	ssub.s32 $0x0, s20;
	[sflag:s22] =	ssyncset.done $0x0  }
0xa0: {  	[sflag:s22] =	ssyncadd.s32 s3;
	_ =	sdelay $0x1  }
0xa1: {  	s23 =	simm.s32 $0x1B8B  }
0xa2: {  	_ =	swait.ge [sflag:s23], $0x1  }
0xa3: {  	[sflag:s23] =	ssyncset.done $0x0  }
0xa4: {  	s25 =	simm.s32 $0x1B8E;
	s24 =	sld [smem:$0x3FFE];
	[sflag:s23] =	ssyncadd.s32 $0xFFFFFFFF  }
0xa5: {  	s26 =	simm.s32 $execute0_lowered;
	[smem:$0x3FD2] =	sst s25  }
0xa6: {  	s4 =	sshll.u32 s26, $0x1;
	_ =	strace $0x80000049;
	[dreg:$0x1] =	wrdreg $0xFFFFFFFF  }
0xa7: {  	s28 =	simm.s32 $_size_execute0_lowered;
	s2 =	sadd.s32 s2, s4;
	[dreg:$0x0] =	wrdreg $0x0  }
0xa8: {  	s4 =	sshll.u32 s28, $0x1;
	[dreg:$0x2] =	wrdreg s2  }
0xa9: {  	[dreg:$0x3] =	wrdreg s4  }
0xaa: {  	[dreg:$0x4] =	wrdreg $0xC0  }
0xab: {  	_ =	task [dreg:s6], $0x5FFFF  }
0xac: {  	[dreg:$0x1] =	wrdreg $0xFFFFFFFF  }
0xad: {  	[dreg:$0x0] =	wrdreg $0x60  }
0xae: {  	[dreg:$0x2] =	wrdreg s24  }
0xaf: {  	[dreg:$0x3] =	wrdreg $0xAC000  }
0xb0: {  	[dreg:$0x4] =	wrdreg $0x9  }
0xb1: {  	_ =	task.clear_ibuf [dreg:s6], $0x5FFFF;
	_ =	strace $0x90000049  }
0xb2: {  	s29 =	simm.s32 $0x9;
	_ =	strace $0x8000004B  }
0xb3: {  	_ =	swait.ge [sflag:s29], $0x1  }
0xb4: {  	[sflag:s29] =	ssyncadd.s32 $0xFFFFFFFF  }
0xb5: {  	_ =	strace $0x9000004B  }
0xb6: {  	_ =	sfence  }
0xb7: {  	s30 =	sld [smem:$0x0];
	_ =	sdelay $0x2  }
0xb8: {  	s31 =	sshll.u32 s1, $0xD;
	s1 =	sshrl.u32 s1, $0x2  }
0xb9: {  	s3 =	sand.u32 $0x4000, s31;
	s1 =	sadd.s32 s1, s30  }
0xba: {  	s0 =	sor.u32 s3, s0;
	s1 =	sshll.u32 s1, $0x11  }
0xbb: {  	s0 =	sor.u32 s1, s0  }
0xbc: {  	s0 =	sadd.s32 $0x8F2B, s0  }
0xbd: {  	[sflag:s0] =	ssyncadd.remote.s32 $0x1  }
0xbe: {  	_ =	sfence.sel $0xFFFF  }
0xbf: {  	[dreg:$0x0] =	wrdreg $0xFFFFFFFF;
	(pc) =	sbr.abs _section_cstart, $3  }
0xc0: {  	[dreg:$0x1] =	wrdreg $0xFFFFFFFF  }
0xc1: {  	_ =	task.clear_ibuf [dreg:s6], $0x2FFFF;
	_ =	strace $0x9FFFFFFF  }
0xc2: {  	(tm) =	ssettm $0x7FFFFFFF  }
0xc3: {  	_ =	shalt  }
tec
execute0_lowered:
.L_overlay_start_1:
0x0: {  	(tag) =	ssettag $0x1  }
0x1: {  	s0 =	rddreg [dreg:$0x0]  }
0x2: {  	s2 =	rddreg [dreg:$0x1];
	s3 =	simm.s32 $0x0  }
0x3: {  	s12 =	stileid.u32;
	s1 =	srdreg.scid;
	s28 =	simm.s32 $0x4  }
0x4: {  	s29 =	simm.s32 $0x5800;
	s30 =	simm.s32 $0x1;
	s31 =	simm.s32 $0x5  }
0x5: {  	[smem:$0x7FF] =	sst s3;
	s7 =	smul.u32 $0x14000, s12;
	s1 =	sand.u32 $0x1, s1  }
0x6: {  	s4 =	sadd.s32 $0x19600, s0;
	s5 =	sadd.s32 $0xF400, s0;
	s10 =	smul.u32 $0x50000, s12  }
0x7: {  	s6 =	sadd.s32 $0x4200, s0;
	s11 =	sshll.u32 s12, $0x1;
	s22 =	smul.u32 $0x5010, s12  }
0x8: {  	s21 =	sshll.u32 s12, $0x6;
	_ =	strace $0x8000004A;
	s8 =	smul.u32 $0x140000, s1  }
0x9: {  	s17 =	ssub.s32 $0x2, s1;
	s20 =	sor.u32 s1, s11;
	s1 =	smul.u32 $0x2808, s1  }
0xa: {  	s9 =	sshrl.u32 s7, $0x3;
	s18 =	sshrl.u32 s17, $0x1;
	s19 =	sshrl.u32 s10, $0x2  }
0xb: {  	s10 =	smul.u32 $0x2808, s20;
	s9 =	sadd.s32 s9, s0;
	s7 =	sadd.s32 s7, s8  }
0xc: {  	s8 =	sadd.s32 s19, s2;
	s1 =	sadd.s32 s1, s22;
	s22 =	simm.s32 $0x100  }
0xd: {  	s7 =	sshrl.u32 s7, $0x3;
	[dreg:$0x3] =	wrdreg s8;
	s9 =	sadd.s32 $0x41600, s9  }
0xe: {  	s23 =	sshrl.u32 s10, $0x3;
	s13 =	sadd.s32 $0xA8, s10;
	s8 =	sadd.s32 $0x1F8, s1  }
0xf: {  	s20 =	sadd.s32 $0x150, s1;
	s1 =	simm.s32 $0x2;
	s0 =	sadd.s32 s7, s0  }
0x10: {  	s7 =	ssub.s32 s17, s18;
	[dreg:$0x4] =	wrdreg s9;
	s9 =	sor.u32 $0x1C07, s21  }
0x11: {  	s10 =	sadd.s32 s6, s23;
	s11 =	sadd.s32 s5, s23;
	s13 =	sshrl.u32 s13, $0x3  }
0x12: {  	s24 =	sadd.s32 $0x4EC, s23;
	s26 =	sshrl.u32 s8, $0x3;
	s14 =	sadd.s32 s5, s13  }
0x13: {  	s21 =	simm.s32 $0x7;
	s13 =	sadd.s32 s6, s13;
	[dreg:$0x5] =	wrdreg s14  }
0x14: {  	s23 =	simm.s32 $0xA8;
	s0 =	sadd.s32 $0x69600, s0;
	[dreg:$0x6] =	wrdreg s13  }
0x15: {  	s8 =	simm.s32 $0x0;
	s7 =	smax.u32 s7, $0x1;
	[dreg:$0x7] =	wrdreg s0  }
0x16: {  	s25 =	sadd.s32 s5, s24;
	s18 =	sadd.s32 s26, s6;
	[dreg:$0x8] =	wrdreg s7  }
0x17: {  	s19 =	sadd.s32 s26, s5;
	s26 =	simm.s32 $0x300;
	[dreg:$0x9] =	wrdreg s25  }
0x18: {  	s0 =	sadd.s32 s6, s24;
	s24 =	simm.s32 $0x400;
	s25 =	simm.s32 $0x200  }
0x19: {  	s7 =	simm.s32 $0x6;
	[dreg:$0xa] =	wrdreg s0;
	s0 =	simm.s32 $0x3  }
.LBB2_1:
0x1a: {  	s12 =	rddreg [dreg:$0x3]  }
0x1b: {  	s13 =	rddreg [dreg:$0x4];
	s12 =	sshrl.u32 s12, $0x3  }
0x1c: {  	[spmem:s12], [sflag:s9] =	dma.local [hbm:s13], $0x2800  }
0x1d: {  	_ =	swait.ge [sflag:s21], $0x2800  }
0x1e: {  	[sflag:s21] =	ssyncset.done $0x0  }
0x1f: {  	[sflag:s21] =	ssyncadd.s32 $0xFFFFD800  }
0x20: {  	[bflag:$0x0] =	sbarrier.arrive $0xFFFF  }
0x21: {  	[tilespmem:s22], [sflag:$0x5] =	stream.linear.gather [hbm4b:s10+s3], $0xA8, $0x38;
	[tilespmem:$0x1EC00] =	vst v63  }
0x22: {  	_ = 	snop  }
0x23: {  	[tilespmem:s3], [sflag:$0x7] =	stream.linear.gather [hbm4b:s11+s3], $0xA8, $0x38;
	[tilespmem:$0x1EC00] =	vst v63  }
0x24: {  	_ =	swait.ge [sflag:s21], $0xA8  }
0x25: {  	[sflag:s21] =	ssyncset.done $0x0  }
0x26: {  	[sflag:s21] =	ssyncadd.s32 $0xFFFFFF58  }
0x27: {  	[tilespmem:s24], [sflag:$0x1] =	stream.indirect.gather [hbm4b:s4+s23], $0x80, s3, s23, $0xb8;
	[tilespmem:$0x1EC00] =	vst v63  }
0x28: {  	s14 =	rddreg [dreg:$0x5]  }
0x29: {  	[tilespmem:s25], [sflag:$0x4] =	stream.linear.gather [hbm4b:s14+s3], $0xA8, $0x38;
	[tilespmem:$0x1EC00] =	vst v63  }
0x2a: {  	s15 =	rddreg [dreg:$0x6]  }
0x2b: {  	[tilespmem:s26], [sflag:$0x6] =	stream.linear.gather [hbm4b:s15+s3], $0xA8, $0x38;
	[tilespmem:$0x1EC00] =	vst v63  }
0x2c: {  	_ =	swait.ge [sflag:s28], $0xA8  }
0x2d: {  	[sflag:s28] =	ssyncset.done $0x0  }
0x2e: {  	[sflag:s28] =	ssyncadd.s32 $0xFFFFFF58  }
0x2f: {  	[tilespmem:s29], [sflag:$0x2] =	stream.indirect.gather [hbm4b:s4+s23], $0x80, s25, s23, $0xb8;
	[tilespmem:$0x1EC00] =	vst v63  }
0x30: {  	_ =	swait.ge [sflag:s30], $0x5400  }
0x31: {  	[sflag:s30] =	ssyncset.done $0x0  }
0x32: {  	[sflag:s30] =	ssyncadd.s32 $0xFFFFAC00  }
0x33: {  	_ =	swait.ge [sflag:s31], $0xA8  }
0x34: {  	s16 =	sshrl.u32 s20, $0x3;
	[sflag:s31] =	ssyncset.done $0x0  }
0x35: {  	s14 =	sadd.s32 s5, s16;
	[sflag:s31] =	ssyncadd.s32 $0xFFFFFF58  }
0x36: {  	[tilespmem:s3], [sflag:$0x3] =	stream.linear.gather [hbm4b:s14+s3], $0xA8, $0x38;
	[tilespmem:$0x1EC00] =	vst v63  }
0x37: {  	_ = 	snop  }
0x38: {  	[spmem:s2] =	stream.indirect.scatter.add.f32 [tilespmem:s24], [sflag:$0x7], $0x80, s22, s23, $0xb8;
	[tilespmem:$0x1EC00] =	vst v63  }
0x39: {  	_ =	swait.ge [sflag:s21], $0x5400  }
0x3a: {  	[sflag:s21] =	ssyncset.done $0x0  }
0x3b: {  	s13 =	sadd.s32 s6, s16;
	[sflag:s21] =	ssyncadd.s32 $0xFFFFAC00  }
0x3c: {  	[tilespmem:s22], [sflag:$0x5] =	stream.linear.gather [hbm4b:s13+s3], $0xA8, $0x38;
	[tilespmem:$0x1EC00] =	vst v63  }
0x3d: {  	_ =	swait.ge [sflag:s0], $0xA8  }
0x3e: {  	[sflag:s0] =	ssyncset.done $0x0  }
0x3f: {  	[sflag:s0] =	ssyncadd.s32 $0xFFFFFF58  }
0x40: {  	[tilespmem:s24], [sflag:$0x1] =	stream.indirect.gather [hbm4b:s4+s23], $0x80, s3, s23, $0xb8;
	[tilespmem:$0x1EC00] =	vst v63  }
0x41: {  	_ =	swait.ge [sflag:s1], $0x5400  }
0x42: {  	[sflag:s1] =	ssyncset.done $0x0  }
0x43: {  	[sflag:s1] =	ssyncadd.s32 $0xFFFFAC00  }
0x44: {  	_ =	swait.ge [sflag:s7], $0xA8  }
0x45: {  	[sflag:s7] =	ssyncset.done $0x0  }
0x46: {  	s17 =	sadd.s32 $0x0, s19;
	[sflag:s7] =	ssyncadd.s32 $0xFFFFFF58  }
0x47: {  	[tilespmem:s25], [sflag:$0x4] =	stream.linear.gather [hbm4b:s17+s3], $0xA8, $0x38;
	[tilespmem:$0x1EC00] =	vst v63  }
0x48: {  	_ = 	snop  }
0x49: {  	[spmem:s2] =	stream.indirect.scatter.add.f32 [tilespmem:s29], [sflag:$0x7], $0x80, s26, s23, $0xb8;
	[tilespmem:$0x1EC00] =	vst v63  }
0x4a: {  	_ =	swait.ge [sflag:s21], $0x5400  }
0x4b: {  	s15 =	sadd.s32 $0x0, s18;
	[sflag:s21] =	ssyncset.done $0x0  }
0x4c: {  	s14 =	sadd.s32 $0x150, s20;
	s13 =	simm.s32 $0x2A;
	[sflag:s21] =	ssyncadd.s32 $0xFFFFAC00  }
.LBB2_2:
0x4d: {  	[tilespmem:s26], [sflag:$0x6] =	stream.linear.gather [hbm4b:s15+s3], $0xA8, $0x38;
	[tilespmem:$0x1EC00] =	vst v63  }
0x4e: {  	s15 =	smov.u32 s13  }
0x4f: {  	p0 =	sne.s32 s13, $0x498;
	s13 =	sadd.s32 $0x2A, s13;
	_ =	swait.ge [sflag:s28], $0xA8  }
0x50: {  	[sflag:s28] =	ssyncset.done $0x0  }
0x51: {  	[sflag:s28] =	ssyncadd.s32 $0xFFFFFF58  }
0x52: {  	[tilespmem:s29], [sflag:$0x2] =	stream.indirect.gather [hbm4b:s4+s23], $0x80, s25, s23, $0xb8;
	[tilespmem:$0x1EC00] =	vst v63  }
0x53: {  	_ =	swait.ge [sflag:s30], $0x5400  }
0x54: {  	[sflag:s30] =	ssyncset.done $0x0  }
0x55: {  	[sflag:s30] =	ssyncadd.s32 $0xFFFFAC00  }
0x56: {  	_ =	swait.ge [sflag:s31], $0xA8  }
0x57: {  	s16 =	sshrl.u32 s14, $0x3;
	[sflag:s31] =	ssyncset.done $0x0  }
0x58: {  	s17 =	sadd.s32 s5, s16;
	[sflag:s31] =	ssyncadd.s32 $0xFFFFFF58  }
0x59: {  	[tilespmem:s3], [sflag:$0x3] =	stream.linear.gather [hbm4b:s17+s3], $0xA8, $0x38;
	[tilespmem:$0x1EC00] =	vst v63  }
0x5a: {  	_ = 	snop  }
0x5b: {  	[spmem:s2] =	stream.indirect.scatter.add.f32 [tilespmem:s24], [sflag:$0x7], $0x80, s22, s23, $0xb8;
	[tilespmem:$0x1EC00] =	vst v63  }
0x5c: {  	_ =	swait.ge [sflag:s21], $0x5400  }
0x5d: {  	[sflag:s21] =	ssyncset.done $0x0  }
0x5e: {  	s16 =	sadd.s32 s6, s16;
	[sflag:s21] =	ssyncadd.s32 $0xFFFFAC00  }
0x5f: {  	[tilespmem:s22], [sflag:$0x5] =	stream.linear.gather [hbm4b:s16+s3], $0xA8, $0x38;
	[tilespmem:$0x1EC00] =	vst v63  }
0x60: {  	_ =	swait.ge [sflag:s0], $0xA8  }
0x61: {  	[sflag:s0] =	ssyncset.done $0x0  }
0x62: {  	[sflag:s0] =	ssyncadd.s32 $0xFFFFFF58  }
0x63: {  	[tilespmem:s24], [sflag:$0x1] =	stream.indirect.gather [hbm4b:s4+s23], $0x80, s3, s23, $0xb8;
	[tilespmem:$0x1EC00] =	vst v63  }
0x64: {  	_ =	swait.ge [sflag:s1], $0x5400  }
0x65: {  	[sflag:s1] =	ssyncset.done $0x0  }
0x66: {  	[sflag:s1] =	ssyncadd.s32 $0xFFFFAC00  }
0x67: {  	_ =	swait.ge [sflag:s7], $0xA8  }
0x68: {  	[sflag:s7] =	ssyncset.done $0x0  }
0x69: {  	s16 =	sadd.s32 s15, s19;
	[sflag:s7] =	ssyncadd.s32 $0xFFFFFF58  }
0x6a: {  	[tilespmem:s25], [sflag:$0x4] =	stream.linear.gather [hbm4b:s16+s3], $0xA8, $0x38;
	[tilespmem:$0x1EC00] =	vst v63  }
.Ltmp0:
0x6b: {  	(pc) =	sbr.rel @p0 .LBB2_2-.Ltmp0, $4  }
0x6c: {  	[spmem:s2] =	stream.indirect.scatter.add.f32 [tilespmem:s29], [sflag:$0x7], $0x80, s26, s23, $0xb8;
	[tilespmem:$0x1EC00] =	vst v63  }
0x6d: {  	_ =	swait.ge [sflag:s21], $0x5400  }
0x6e: {  	[sflag:s21] =	ssyncset.done $0x0  }
0x6f: {  	s14 =	sadd.s32 $0x150, s14;
	s15 =	sadd.s32 s15, s18;
	[sflag:s21] =	ssyncadd.s32 $0xFFFFAC00  }
0x70: {  	[tilespmem:s26], [sflag:$0x6] =	stream.linear.gather [hbm4b:s15+s3], $0xA8, $0x38;
	[tilespmem:$0x1EC00] =	vst v63  }
0x71: {  	_ =	swait.ge [sflag:s28], $0xA8  }
0x72: {  	[sflag:s28] =	ssyncset.done $0x0  }
0x73: {  	[sflag:s28] =	ssyncadd.s32 $0xFFFFFF58  }
0x74: {  	[tilespmem:s29], [sflag:$0x2] =	stream.indirect.gather [hbm4b:s4+s23], $0x80, s25, s23, $0xb8;
	[tilespmem:$0x1EC00] =	vst v63  }
0x75: {  	_ =	swait.ge [sflag:s30], $0x5400  }
0x76: {  	[sflag:s30] =	ssyncset.done $0x0  }
0x77: {  	[sflag:s30] =	ssyncadd.s32 $0xFFFFAC00  }
0x78: {  	_ =	swait.ge [sflag:s31], $0xA8  }
0x79: {  	[sflag:s31] =	ssyncset.done $0x0  }
0x7a: {  	s13 =	rddreg [dreg:$0x9];
	[sflag:s31] =	ssyncadd.s32 $0xFFFFFF58  }
0x7b: {  	[tilespmem:s3], [sflag:$0x3] =	stream.linear.gather [hbm4b:s13+s3], $0xA8, $0x38;
	[tilespmem:$0x1EC00] =	vst v63  }
0x7c: {  	_ = 	snop  }
0x7d: {  	[spmem:s2] =	stream.indirect.scatter.add.f32 [tilespmem:s24], [sflag:$0x7], $0x80, s22, s23, $0xb8;
	[tilespmem:$0x1EC00] =	vst v63  }
0x7e: {  	_ =	swait.ge [sflag:s21], $0x5400  }
0x7f: {  	[sflag:s21] =	ssyncset.done $0x0  }
0x80: {  	s15 =	rddreg [dreg:$0xa];
	[sflag:s21] =	ssyncadd.s32 $0xFFFFAC00  }
0x81: {  	[tilespmem:s22], [sflag:$0x5] =	stream.linear.gather [hbm4b:s15+s3], $0xA8, $0x38;
	[tilespmem:$0x1EC00] =	vst v63  }
0x82: {  	_ =	swait.ge [sflag:s0], $0xA8  }
0x83: {  	[sflag:s0] =	ssyncset.done $0x0  }
0x84: {  	[sflag:s0] =	ssyncadd.s32 $0xFFFFFF58  }
0x85: {  	[tilespmem:s24], [sflag:$0x1] =	stream.indirect.gather [hbm4b:s4+s23], $0x80, s3, s23, $0xb8;
	[tilespmem:$0x1EC00] =	vst v63  }
0x86: {  	_ =	swait.ge [sflag:s1], $0x5400  }
0x87: {  	[sflag:s1] =	ssyncset.done $0x0  }
0x88: {  	[sflag:s1] =	ssyncadd.s32 $0xFFFFAC00  }
0x89: {  	_ =	swait.ge [sflag:s7], $0xA8  }
0x8a: {  	[sflag:s7] =	ssyncset.done $0x0  }
0x8b: {  	[sflag:s7] =	ssyncadd.s32 $0xFFFFFF58  }
0x8c: {  	[tilespmem:s25], [sflag:$0x4] =	stream.linear.gather [hbm4b:s11+s3], $0xA8, $0x38;
	[tilespmem:$0x1EC00] =	vst v63  }
0x8d: {  	_ = 	snop  }
0x8e: {  	[spmem:s2] =	stream.indirect.scatter.add.f32 [tilespmem:s29], [sflag:$0x7], $0x80, s26, s23, $0xb8;
	[tilespmem:$0x1EC00] =	vst v63  }
0x8f: {  	_ =	swait.ge [sflag:s21], $0x5400  }
0x90: {  	[sflag:s21] =	ssyncset.done $0x0  }
0x91: {  	[sflag:s21] =	ssyncadd.s32 $0xFFFFAC00  }
0x92: {  	[tilespmem:s26], [sflag:$0x6] =	stream.linear.gather [hbm4b:s10+s3], $0xA8, $0x38;
	[tilespmem:$0x1EC00] =	vst v63  }
0x93: {  	_ =	swait.ge [sflag:s30], $0x5400  }
0x94: {  	[sflag:s30] =	ssyncset.done $0x0  }
0x95: {  	[sflag:s30] =	ssyncadd.s32 $0xFFFFAC00  }
0x96: {  	_ =	swait.ge [sflag:s31], $0xA8  }
0x97: {  	[sflag:s31] =	ssyncset.done $0x0  }
0x98: {  	[sflag:s31] =	ssyncadd.s32 $0xFFFFFF58  }
0x99: {  	[spmem:s2] =	stream.indirect.scatter.add.f32 [tilespmem:s24], [sflag:$0x7], $0x80, s22, s23, $0xb8;
	[tilespmem:$0x1EC00] =	vst v63  }
0x9a: {  	_ =	swait.ge [sflag:s21], $0x5400  }
0x9b: {  	[sflag:s21] =	ssyncset.done $0x0  }
0x9c: {  	[sflag:s21] =	ssyncadd.s32 $0xFFFFAC00  }
0x9d: {  	_ =	swait.ge [sflag:s28], $0xA8  }
0x9e: {  	[sflag:s28] =	ssyncset.done $0x0  }
0x9f: {  	[sflag:s28] =	ssyncadd.s32 $0xFFFFFF58  }
0xa0: {  	_ =	swait.ge [sflag:s7], $0xA8  }
0xa1: {  	[sflag:s7] =	ssyncset.done $0x0  }
0xa2: {  	[sflag:s7] =	ssyncadd.s32 $0xFFFFFF58  }
0xa3: {  	[bflag:$0x0] =	sbarrier.arrive $0xFFFF  }
0xa4: {  	s16 =	rddreg [dreg:$0x7]  }
0xa5: {  	[hbm:s16], [sflag:s9] =	dma.local [spmem:s12], $0x2800  }
0xa6: {  	_ =	swait.ge [sflag:s21], $0x2800  }
0xa7: {  	s8 =	sadd.s32 $0x1, s8;
	s17 =	rddreg [dreg:$0x8]  }
0xa8: {  	p0 =	sne.s32 s8, s17  }
.Ltmp1:
0xa9: {  	_ = 	snop;
	(pc) =	sbr.rel @p0 .LBB2_1-.Ltmp1, $3  }
0xaa: {  	_ =	sdelay $0x1  }
0xab: {  	[sflag:s21] =	ssyncset.done $0x0  }
0xac: {  	[sflag:s21] =	ssyncadd.s32 $0xFFFFD800  }
0xad: {  	_ =	sfence.sel $0x180000  }
0xae: {  	[bflag:$0x0] =	sbarrier.arrive $0xFFFF  }
0xaf: {  	_ =	strace $0x9000004A  }
0xb0: {  	s0 =	stileid.u32;
	[bflag:$0x2] =	sbarrier.arrive $0xFFFF  }
0xb1: {  	p0 =	sne.s32 s0, $0x0;
	s0 =	rddreg [dreg:$0x2]  }
0xb2: {  	s0 =	sadd.s32 @!p0 $0x100000, s0  }
0xb3: {  	[sflag:s0] =	ssyncadd.tile.s32 @!p0 $0x1;
	_ =	shalt  }
.Lfunc_end2:
_tile_overlayer_lowered:
.L_overlay_start_2:
0xb4: {  	(tag) =	ssettag $0x2  }
0xb5: {  	s0 =	rddreg [dreg:$0x0];
	s2 =	stileid.u32  }
0xb6: {  	s1 =	rddreg [dreg:$0x1];
	p0 =	sne.s32 s2, $0x0  }
0xb7: {  	s3 =	rddreg [dreg:$0x2];
	[bflag:$0x3] =	sbarrier.arrive $0xFFFF;
	s2 =	simm.s32 @!p0 $0x1C07  }
0xb8: {  	[timem:s3], [sflag:s2] =	dma.local @!p0 [hbm:s0], s1  }
0xb9: {  	s0 =	simm.s32 @!p0 $0x7  }
0xba: {  	_ =	swait.ge @!p0 [sflag:s0], s1  }
0xbb: {  	s1 =	ssub.s32 @!p0 $0x0, s1;
	[sflag:s0] =	ssyncset.done @!p0 $0x0  }
0xbc: {  	[sflag:s0] =	ssyncadd.s32 @!p0 s1  }
0xbd: {  	[bflag:$0x3] =	sbarrier.arrive $0xFFFF  }
0xbe: {  	_ =	shalt  }

// kernel: kernel.14.cloned.1.call-start
scs
__scs_entry_jumppad:
0x0: {  	(pc) =	sbr.rel $0x88, $3  }
0x1: {  	(tag) =	ssettag $0x0;
	lr =	simm.s32 $0x1  }
0x2: {  	[smem:$0x3F8E] =	sst lr;
	_ =	strace $0xD0000000  }
0x3: {  	_ = 	snop  }
0x4: {  	_ = 	snop  }
0x5: {  	_ = 	snop  }
0x6: {  	_ = 	snop  }
0x7: {  	_ = 	snop  }
__scs_overlays_trampoline_lowered:
0x8: {  	[smem:$0x3F9D] =	sst s0  }
0x9: {  	[smem:$0x3F9E] =	sst s1  }
0xa: {  	[smem:$0x3F9F] =	sst s2  }
0xb: {  	[smem:$0x3FA0] =	sst s3  }
0xc: {  	[smem:$0x3FA1] =	sst s4  }
0xd: {  	[smem:$0x3FA2] =	sst s5  }
0xe: {  	[smem:$0x3FA3] =	sst s6  }
0xf: {  	[smem:$0x3FA4] =	sst s7  }
0x10: {  	[smem:$0x3FA5] =	sst s8  }
0x11: {  	[smem:$0x3FA6] =	sst s9;
	s0 =	simm.s32 @!p0 $0x0  }
0x12: {  	s1 =	sld [smem:$0x3F8C];
	s0 =	simm.s32 @p0 $0x1  }
0x13: {  	[smem:$0x3FA7] =	sst s0;
	s0 =	simm.s32 @!p1 $0x0  }
0x14: {  	s2 =	sld [smem:$0x3F8B];
	s0 =	simm.s32 @p1 $0x1  }
0x15: {  	[smem:$0x3FA8] =	sst s0;
	s0 =	simm.s32 @!p2 $0x0  }
0x16: {  	s3 =	sld [smem:$0x3FDB];
	s0 =	simm.s32 @p2 $0x1  }
0x17: {  	s4 =	simm.s32 $0x1BF5;
	[smem:$0x3FAA] =	sst s0  }
0x18: {  	s0 =	sld [smem:$0x3F8D];
	_ =	swait.ge [sflag:s4], $0x0  }
0x19: {  	s7 =	sld [smem:$0x3F8E]  }
0x1a: {  	s8 =	sadd.s32 $0xFFFFE003, lr  }
0x1b: {  	s9 =	sadd.s32 $0xFFFFFEF7, lr;
	s5 =	simm.s32 $0xFFFFFFFF;
	p2 =	slt.u32 s8, $0xFFFFF086  }
0x1c: {  	p1 =	slt.u32 s9, $0xF7A;
	s5 =	simm.s32 @!p2 $0x0  }
0x1d: {  	s5 =	simm.s32 @p1 $0x1;
	p0 =	seq.s32 s7, s2  }
0x1e: {  	s7 =	smul.u32 @!p0 $0xF7A, s2;
	p2 =	seq.s32 @!p0 s5, $0x0  }
0x1f: {  	s9 =	smul.u32 $0xF7A, s1;
	s8 =	simm.s32 @!p0 $0x1BF5;
	p2 =	por !p2, p0  }
0x20: {  	[sflag:s8] =	ssyncset.s32 @!p0 $0xFFFFF086;
	s6 =	sadd.s32 @!p0 s3, s7;
	s7 =	simm.s32 @!p0 $0x108  }
0x21: {  	s3 =	sadd.s32 s3, s9;
	s6 =	sadd.s32 @!p0 $0x88, s6;
	s7 =	simm.s32 @p2 $0x1082  }
0x22: {  	[simem:s7], [sflag:s8] =	dma.local @!p0 [hbm:s6], $0xF7A  }
0x23: {  	s9 =	sor.u32 $0xD0000000, s2;
	s6 =	simm.s32 $0x108;
	_ =	swait.ge @!p0 [sflag:s8], $0x0  }
0x24: {  	s3 =	sadd.s32 $0x88, s3;
	s6 =	simm.s32 @!p1 $0x1082;
	[sflag:s4] =	ssyncset.s32 $0xFFFFF086  }
0x25: {  	[simem:s6], [sflag:s4] =	dma.local [hbm:s3], $0xF7A  }
0x26: {  	[smem:$0x3F8E] =	sst s1;
	(tag) =	ssettag s2;
	_ =	strace s9  }
0x27: {  	s1 =	sld [smem:$0x3F9E]  }
0x28: {  	s2 =	sld [smem:$0x3F9F]  }
0x29: {  	s4 =	sld [smem:$0x3FA1]  }
0x2a: {  	p0 =	seq.s32 s5, $0x0;
	s5 =	sld [smem:$0x3FA2]  }
0x2b: {  	s6 =	sld [smem:$0x3FA3]  }
0x2c: {  	s7 =	sld [smem:$0x3FA4]  }
0x2d: {  	s3 =	simm.s32 $0x108;
	s8 =	sld [smem:$0x3FA5]  }
0x2e: {  	s3 =	simm.s32 @!p0 $0x1082;
	s9 =	sld [smem:$0x3FA6]  }
0x2f: {  	lr =	sadd.s32 s0, s3;
	s0 =	sld [smem:$0x3F9D]  }
0x30: {  	s3 =	sld [smem:$0x3FA0]  }
0x31: {  	[smem:$0x3FA9] =	sst s10  }
0x32: {  	s10 =	sld [smem:$0x3FA7];
	_ =	sdelay $0x3  }
0x33: {  	p0 =	seq.s32 s10, $0x1;
	s10 =	sld [smem:$0x3FA9];
	_ =	sdelay $0x3  }
0x34: {  	[smem:$0x3FA9] =	sst s10  }
0x35: {  	s10 =	sld [smem:$0x3FA8];
	_ =	sdelay $0x3  }
0x36: {  	p1 =	seq.s32 s10, $0x1;
	s10 =	sld [smem:$0x3FA9];
	_ =	sdelay $0x3  }
0x37: {  	[smem:$0x3FA9] =	sst s10  }
0x38: {  	s10 =	sld [smem:$0x3FAA]  }
0x39: {  	_ = 	snop;
	(pc) =	sbr.ind lr, $3  }
0x3a: {  	_ = 	snop  }
0x3b: {  	_ = 	snop  }
0x3c: {  	p2 =	seq.s32 s10, $0x1;
	s10 =	sld [smem:$0x3FA9]  }
0x3d: {  	_ =	shalt  }
0x3e: {  	_ =	shalt  }
0x3f: {  	_ =	shalt  }
0x40: {  	_ =	shalt  }
0x41: {  	_ =	shalt  }
0x42: {  	_ =	shalt  }
0x43: {  	_ =	shalt  }
0x44: {  	_ =	shalt  }
0x45: {  	_ =	shalt  }
0x46: {  	_ =	shalt  }
0x47: {  	_ =	shalt  }
0x48: {  	_ =	shalt  }
0x49: {  	_ =	shalt  }
0x4a: {  	_ =	shalt  }
0x4b: {  	_ =	shalt  }
0x4c: {  	_ =	shalt  }
0x4d: {  	_ =	shalt  }
0x4e: {  	_ =	shalt  }
0x4f: {  	_ =	shalt  }
0x50: {  	_ =	shalt  }
0x51: {  	_ =	shalt  }
0x52: {  	_ =	shalt  }
0x53: {  	_ =	shalt  }
0x54: {  	_ =	shalt  }
0x55: {  	_ =	shalt  }
0x56: {  	_ =	shalt  }
0x57: {  	_ =	shalt  }
0x58: {  	_ =	shalt  }
0x59: {  	_ =	shalt  }
0x5a: {  	_ =	shalt  }
0x5b: {  	_ =	shalt  }
0x5c: {  	_ =	shalt  }
0x5d: {  	_ =	shalt  }
0x5e: {  	_ =	shalt  }
0x5f: {  	_ =	shalt  }
0x60: {  	_ =	shalt  }
0x61: {  	_ =	shalt  }
0x62: {  	_ =	shalt  }
0x63: {  	_ =	shalt  }
0x64: {  	_ =	shalt  }
0x65: {  	_ =	shalt  }
0x66: {  	_ =	shalt  }
0x67: {  	_ =	shalt  }
0x68: {  	_ =	shalt  }
0x69: {  	_ =	shalt  }
0x6a: {  	_ =	shalt  }
0x6b: {  	_ =	shalt  }
0x6c: {  	_ =	shalt  }
0x6d: {  	_ =	shalt  }
0x6e: {  	_ =	shalt  }
0x6f: {  	_ =	shalt  }
0x70: {  	_ =	shalt  }
0x71: {  	_ =	shalt  }
0x72: {  	_ =	shalt  }
0x73: {  	_ =	shalt  }
0x74: {  	_ =	shalt  }
0x75: {  	_ =	shalt  }
0x76: {  	_ =	shalt  }
0x77: {  	_ =	shalt  }
0x78: {  	_ =	shalt  }
0x79: {  	_ =	shalt  }
0x7a: {  	_ =	shalt  }
0x7b: {  	_ =	shalt  }
0x7c: {  	_ =	shalt  }
0x7d: {  	_ =	shalt  }
0x7e: {  	_ =	shalt  }
0x7f: {  	_ =	shalt  }
0x80: {  	_ =	shalt  }
0x81: {  	_ =	shalt  }
0x82: {  	_ =	shalt  }
0x83: {  	_ =	shalt  }
0x84: {  	_ =	shalt  }
0x85: {  	_ =	shalt  }
0x86: {  	_ =	shalt  }
0x87: {  	_ =	shalt  }
.Lfunc_end0:
.L_simem_size_0:
called_computation.2_lowered:
.L_overlay_start_0:
0x88: {  	s2 =	sld [smem:$0x3FD9]  }
0x89: {  	s3 =	sld [smem:$0x3FFE];
	_ =	sdelay $0x1  }
0x8a: {  	s1 =	srdreg.scid  }
0x8b: {  	s0 =	sand.u32 $0x1, s1  }
0x8c: {  	s16 =	sshll.u32 s0, $0xA;
	s2 =	sadd.s32 s3, s2  }
0x8d: {  	s2 =	sadd.s32 s2, s16  }
0x8e: {  	[smem:$0x3FB5] =	sst s2  }
0x8f: {  	_ = 	snop  }
0x90: {  	(tm) =	ssettm $0x1  }
0x91: {  	s17 =	sld [smem:$0x3FFB];
	_ =	sdelay $0x3  }
0x92: {  	_ =	strace s17  }
0x93: {  	s2 =	sld [smem:$0x3FFC];
	_ =	sdelay $0x3  }
0x94: {  	_ =	strace s2  }
0x95: {  	s2 =	sld [smem:$0x3FFD];
	_ =	sdelay $0x3  }
0x96: {  	_ =	strace s2  }
0x97: {  	_ =	strace $0x8FFFFFFF  }
0x98: {  	s18 =	sld [smem:$0x3FDB];
	_ =	sdelay $0x1  }
0x99: {  	s19 =	simm.s32 $_scs_section_size  }
0x9a: {  	s4 =	simm.s32 $_size__tile_overlayer_lowered;
	s5 =	simm.s32 $_tile_overlayer_lowered  }
0x9b: {  	s22 =	simm.s32 $0x1BFF;
	s21 =	sshll.u32 s5, $0x1;
	s2 =	sadd.s32 s19, s18  }
0x9c: {  	s6 =	simm.s32 $0x0;
	s20 =	sshll.u32 s4, $0x1;
	s4 =	sadd.s32 s21, s2  }
0x9d: {  	[timem:s6], [sflag:s22] =	dma.local [hbm:s4], s20  }
0x9e: {  	_ =	swait.ge [sflag:s22], s20  }
0x9f: {  	s3 =	ssub.s32 $0x0, s20;
	[sflag:s22] =	ssyncset.done $0x0  }
0xa0: {  	[sflag:s22] =	ssyncadd.s32 s3;
	_ =	sdelay $0x1  }
0xa1: {  	s23 =	simm.s32 $0x1B8B  }
0xa2: {  	_ =	swait.ge [sflag:s23], $0x1  }
0xa3: {  	[sflag:s23] =	ssyncset.done $0x0  }
0xa4: {  	s25 =	simm.s32 $0x1B8E;
	s24 =	sld [smem:$0x3FFE];
	[sflag:s23] =	ssyncadd.s32 $0xFFFFFFFF  }
0xa5: {  	s26 =	simm.s32 $execute0_lowered;
	[smem:$0x3FD2] =	sst s25  }
0xa6: {  	s4 =	sshll.u32 s26, $0x1;
	_ =	strace $0x8000004C;
	[dreg:$0x1] =	wrdreg $0xFFFFFFFF  }
0xa7: {  	s28 =	simm.s32 $_size_execute0_lowered;
	s2 =	sadd.s32 s2, s4;
	[dreg:$0x0] =	wrdreg $0x0  }
0xa8: {  	s4 =	sshll.u32 s28, $0x1;
	[dreg:$0x2] =	wrdreg s2  }
0xa9: {  	[dreg:$0x3] =	wrdreg s4  }
0xaa: {  	[dreg:$0x4] =	wrdreg $0xC0  }
0xab: {  	_ =	task [dreg:s6], $0x5FFFF  }
0xac: {  	[dreg:$0x1] =	wrdreg $0xFFFFFFFF  }
0xad: {  	[dreg:$0x0] =	wrdreg $0x60  }
0xae: {  	[dreg:$0x2] =	wrdreg s24  }
0xaf: {  	[dreg:$0x3] =	wrdreg $0xAC000  }
0xb0: {  	[dreg:$0x4] =	wrdreg $0x9  }
0xb1: {  	_ =	task.clear_ibuf [dreg:s6], $0x5FFFF;
	_ =	strace $0x9000004C  }
0xb2: {  	s29 =	simm.s32 $0x9;
	_ =	strace $0x8000004E  }
0xb3: {  	_ =	swait.ge [sflag:s29], $0x1  }
0xb4: {  	[sflag:s29] =	ssyncadd.s32 $0xFFFFFFFF  }
0xb5: {  	_ =	strace $0x9000004E  }
0xb6: {  	_ =	sfence  }
0xb7: {  	s30 =	sld [smem:$0x0];
	_ =	sdelay $0x2  }
0xb8: {  	s31 =	sshll.u32 s1, $0xD;
	s1 =	sshrl.u32 s1, $0x2  }
0xb9: {  	s3 =	sand.u32 $0x4000, s31;
	s1 =	sadd.s32 s1, s30  }
0xba: {  	s0 =	sor.u32 s3, s0;
	s1 =	sshll.u32 s1, $0x11  }
0xbb: {  	s0 =	sor.u32 s1, s0  }
0xbc: {  	s0 =	sadd.s32 $0x8F2B, s0  }
0xbd: {  	[sflag:s0] =	ssyncadd.remote.s32 $0x1  }
0xbe: {  	_ =	sfence.sel $0xFFFF  }
0xbf: {  	[dreg:$0x0] =	wrdreg $0xFFFFFFFF;
	(pc) =	sbr.abs _section_cstart, $3  }
0xc0: {  	[dreg:$0x1] =	wrdreg $0xFFFFFFFF  }
0xc1: {  	_ =	task.clear_ibuf [dreg:s6], $0x2FFFF;
	_ =	strace $0x9FFFFFFF  }
0xc2: {  	(tm) =	ssettm $0x7FFFFFFF  }
0xc3: {  	_ =	shalt  }
tec
execute0_lowered:
.L_overlay_start_1:
0x0: {  	(tag) =	ssettag $0x1  }
0x1: {  	s0 =	rddreg [dreg:$0x0]  }
0x2: {  	s2 =	rddreg [dreg:$0x1];
	s3 =	simm.s32 $0x0  }
0x3: {  	s12 =	stileid.u32;
	s1 =	srdreg.scid;
	s28 =	simm.s32 $0x4  }
0x4: {  	s29 =	simm.s32 $0x5800;
	s30 =	simm.s32 $0x1;
	s31 =	simm.s32 $0x5  }
0x5: {  	[smem:$0x7FF] =	sst s3;
	s7 =	smul.u32 $0x14000, s12;
	s1 =	sand.u32 $0x1, s1  }
0x6: {  	s4 =	sadd.s32 $0x19600, s0;
	s5 =	sadd.s32 $0xF400, s0;
	s10 =	smul.u32 $0x50000, s12  }
0x7: {  	s6 =	sadd.s32 $0x4200, s0;
	s11 =	sshll.u32 s12, $0x1;
	s22 =	smul.u32 $0x5010, s12  }
0x8: {  	s21 =	sshll.u32 s12, $0x6;
	_ =	strace $0x8000004D;
	s8 =	smul.u32 $0x140000, s1  }
0x9: {  	s17 =	ssub.s32 $0x2, s1;
	s20 =	sor.u32 s1, s11;
	s1 =	smul.u32 $0x2808, s1  }
0xa: {  	s9 =	sshrl.u32 s7, $0x3;
	s18 =	sshrl.u32 s17, $0x1;
	s19 =	sshrl.u32 s10, $0x2  }
0xb: {  	s10 =	smul.u32 $0x2808, s20;
	s9 =	sadd.s32 s9, s0;
	s7 =	sadd.s32 s7, s8  }
0xc: {  	s8 =	sadd.s32 s19, s2;
	s1 =	sadd.s32 s1, s22;
	s22 =	simm.s32 $0x100  }
0xd: {  	s7 =	sshrl.u32 s7, $0x3;
	[dreg:$0x3] =	wrdreg s8;
	s9 =	sadd.s32 $0x41600, s9  }
0xe: {  	s23 =	sshrl.u32 s10, $0x3;
	s13 =	sadd.s32 $0xA8, s10;
	s8 =	sadd.s32 $0x1F8, s1  }
0xf: {  	s20 =	sadd.s32 $0x150, s1;
	s1 =	simm.s32 $0x2;
	s0 =	sadd.s32 s7, s0  }
0x10: {  	s7 =	ssub.s32 s17, s18;
	[dreg:$0x4] =	wrdreg s9;
	s9 =	sor.u32 $0x1C07, s21  }
0x11: {  	s10 =	sadd.s32 s6, s23;
	s11 =	sadd.s32 s5, s23;
	s13 =	sshrl.u32 s13, $0x3  }
0x12: {  	s24 =	sadd.s32 $0x4EC, s23;
	s26 =	sshrl.u32 s8, $0x3;
	s14 =	sadd.s32 s5, s13  }
0x13: {  	s21 =	simm.s32 $0x7;
	s13 =	sadd.s32 s6, s13;
	[dreg:$0x5] =	wrdreg s14  }
0x14: {  	s23 =	simm.s32 $0xA8;
	s0 =	sadd.s32 $0x69600, s0;
	[dreg:$0x6] =	wrdreg s13  }
0x15: {  	s8 =	simm.s32 $0x0;
	s7 =	smax.u32 s7, $0x1;
	[dreg:$0x7] =	wrdreg s0  }
0x16: {  	s25 =	sadd.s32 s5, s24;
	s18 =	sadd.s32 s26, s6;
	[dreg:$0x8] =	wrdreg s7  }
0x17: {  	s19 =	sadd.s32 s26, s5;
	s26 =	simm.s32 $0x300;
	[dreg:$0x9] =	wrdreg s25  }
0x18: {  	s0 =	sadd.s32 s6, s24;
	s24 =	simm.s32 $0x400;
	s25 =	simm.s32 $0x200  }
0x19: {  	s7 =	simm.s32 $0x6;
	[dreg:$0xa] =	wrdreg s0;
	s0 =	simm.s32 $0x3  }
.LBB2_1:
0x1a: {  	s12 =	rddreg [dreg:$0x3]  }
0x1b: {  	s13 =	rddreg [dreg:$0x4];
	s12 =	sshrl.u32 s12, $0x3  }
0x1c: {  	[spmem:s12], [sflag:s9] =	dma.local [hbm:s13], $0x2800  }
0x1d: {  	_ =	swait.ge [sflag:s21], $0x2800  }
0x1e: {  	[sflag:s21] =	ssyncset.done $0x0  }
0x1f: {  	[sflag:s21] =	ssyncadd.s32 $0xFFFFD800  }
0x20: {  	[bflag:$0x0] =	sbarrier.arrive $0xFFFF  }
0x21: {  	[tilespmem:s22], [sflag:$0x5] =	stream.linear.gather [hbm4b:s10+s3], $0xA8, $0x38;
	[tilespmem:$0x1EC00] =	vst v63  }
0x22: {  	_ = 	snop  }
0x23: {  	[tilespmem:s3], [sflag:$0x7] =	stream.linear.gather [hbm4b:s11+s3], $0xA8, $0x38;
	[tilespmem:$0x1EC00] =	vst v63  }
0x24: {  	_ =	swait.ge [sflag:s21], $0xA8  }
0x25: {  	[sflag:s21] =	ssyncset.done $0x0  }
0x26: {  	[sflag:s21] =	ssyncadd.s32 $0xFFFFFF58  }
0x27: {  	[tilespmem:s24], [sflag:$0x1] =	stream.indirect.gather [hbm4b:s4+s23], $0x80, s3, s23, $0xb8;
	[tilespmem:$0x1EC00] =	vst v63  }
0x28: {  	s14 =	rddreg [dreg:$0x5]  }
0x29: {  	[tilespmem:s25], [sflag:$0x4] =	stream.linear.gather [hbm4b:s14+s3], $0xA8, $0x38;
	[tilespmem:$0x1EC00] =	vst v63  }
0x2a: {  	s15 =	rddreg [dreg:$0x6]  }
0x2b: {  	[tilespmem:s26], [sflag:$0x6] =	stream.linear.gather [hbm4b:s15+s3], $0xA8, $0x38;
	[tilespmem:$0x1EC00] =	vst v63  }
0x2c: {  	_ =	swait.ge [sflag:s28], $0xA8  }
0x2d: {  	[sflag:s28] =	ssyncset.done $0x0  }
0x2e: {  	[sflag:s28] =	ssyncadd.s32 $0xFFFFFF58  }
0x2f: {  	[tilespmem:s29], [sflag:$0x2] =	stream.indirect.gather [hbm4b:s4+s23], $0x80, s25, s23, $0xb8;
	[tilespmem:$0x1EC00] =	vst v63  }
0x30: {  	_ =	swait.ge [sflag:s30], $0x5400  }
0x31: {  	[sflag:s30] =	ssyncset.done $0x0  }
0x32: {  	[sflag:s30] =	ssyncadd.s32 $0xFFFFAC00  }
0x33: {  	_ =	swait.ge [sflag:s31], $0xA8  }
0x34: {  	s16 =	sshrl.u32 s20, $0x3;
	[sflag:s31] =	ssyncset.done $0x0  }
0x35: {  	s14 =	sadd.s32 s5, s16;
	[sflag:s31] =	ssyncadd.s32 $0xFFFFFF58  }
0x36: {  	[tilespmem:s3], [sflag:$0x3] =	stream.linear.gather [hbm4b:s14+s3], $0xA8, $0x38;
	[tilespmem:$0x1EC00] =	vst v63  }
0x37: {  	_ = 	snop  }
0x38: {  	[spmem:s2] =	stream.indirect.scatter.add.f32 [tilespmem:s24], [sflag:$0x7], $0x80, s22, s23, $0xb8;
	[tilespmem:$0x1EC00] =	vst v63  }
0x39: {  	_ =	swait.ge [sflag:s21], $0x5400  }
0x3a: {  	[sflag:s21] =	ssyncset.done $0x0  }
0x3b: {  	s13 =	sadd.s32 s6, s16;
	[sflag:s21] =	ssyncadd.s32 $0xFFFFAC00  }
0x3c: {  	[tilespmem:s22], [sflag:$0x5] =	stream.linear.gather [hbm4b:s13+s3], $0xA8, $0x38;
	[tilespmem:$0x1EC00] =	vst v63  }
0x3d: {  	_ =	swait.ge [sflag:s0], $0xA8  }
0x3e: {  	[sflag:s0] =	ssyncset.done $0x0  }
0x3f: {  	[sflag:s0] =	ssyncadd.s32 $0xFFFFFF58  }
0x40: {  	[tilespmem:s24], [sflag:$0x1] =	stream.indirect.gather [hbm4b:s4+s23], $0x80, s3, s23, $0xb8;
	[tilespmem:$0x1EC00] =	vst v63  }
0x41: {  	_ =	swait.ge [sflag:s1], $0x5400  }
0x42: {  	[sflag:s1] =	ssyncset.done $0x0  }
0x43: {  	[sflag:s1] =	ssyncadd.s32 $0xFFFFAC00  }
0x44: {  	_ =	swait.ge [sflag:s7], $0xA8  }
0x45: {  	[sflag:s7] =	ssyncset.done $0x0  }
0x46: {  	s17 =	sadd.s32 $0x0, s19;
	[sflag:s7] =	ssyncadd.s32 $0xFFFFFF58  }
0x47: {  	[tilespmem:s25], [sflag:$0x4] =	stream.linear.gather [hbm4b:s17+s3], $0xA8, $0x38;
	[tilespmem:$0x1EC00] =	vst v63  }
0x48: {  	_ = 	snop  }
0x49: {  	[spmem:s2] =	stream.indirect.scatter.add.f32 [tilespmem:s29], [sflag:$0x7], $0x80, s26, s23, $0xb8;
	[tilespmem:$0x1EC00] =	vst v63  }
0x4a: {  	_ =	swait.ge [sflag:s21], $0x5400  }
0x4b: {  	s15 =	sadd.s32 $0x0, s18;
	[sflag:s21] =	ssyncset.done $0x0  }
0x4c: {  	s14 =	sadd.s32 $0x150, s20;
	s13 =	simm.s32 $0x2A;
	[sflag:s21] =	ssyncadd.s32 $0xFFFFAC00  }
.LBB2_2:
0x4d: {  	[tilespmem:s26], [sflag:$0x6] =	stream.linear.gather [hbm4b:s15+s3], $0xA8, $0x38;
	[tilespmem:$0x1EC00] =	vst v63  }
0x4e: {  	s15 =	smov.u32 s13  }
0x4f: {  	p0 =	sne.s32 s13, $0x498;
	s13 =	sadd.s32 $0x2A, s13;
	_ =	swait.ge [sflag:s28], $0xA8  }
0x50: {  	[sflag:s28] =	ssyncset.done $0x0  }
0x51: {  	[sflag:s28] =	ssyncadd.s32 $0xFFFFFF58  }
0x52: {  	[tilespmem:s29], [sflag:$0x2] =	stream.indirect.gather [hbm4b:s4+s23], $0x80, s25, s23, $0xb8;
	[tilespmem:$0x1EC00] =	vst v63  }
0x53: {  	_ =	swait.ge [sflag:s30], $0x5400  }
0x54: {  	[sflag:s30] =	ssyncset.done $0x0  }
0x55: {  	[sflag:s30] =	ssyncadd.s32 $0xFFFFAC00  }
0x56: {  	_ =	swait.ge [sflag:s31], $0xA8  }
0x57: {  	s16 =	sshrl.u32 s14, $0x3;
	[sflag:s31] =	ssyncset.done $0x0  }
0x58: {  	s17 =	sadd.s32 s5, s16;
	[sflag:s31] =	ssyncadd.s32 $0xFFFFFF58  }
0x59: {  	[tilespmem:s3], [sflag:$0x3] =	stream.linear.gather [hbm4b:s17+s3], $0xA8, $0x38;
	[tilespmem:$0x1EC00] =	vst v63  }
0x5a: {  	_ = 	snop  }
0x5b: {  	[spmem:s2] =	stream.indirect.scatter.add.f32 [tilespmem:s24], [sflag:$0x7], $0x80, s22, s23, $0xb8;
	[tilespmem:$0x1EC00] =	vst v63  }
0x5c: {  	_ =	swait.ge [sflag:s21], $0x5400  }
0x5d: {  	[sflag:s21] =	ssyncset.done $0x0  }
0x5e: {  	s16 =	sadd.s32 s6, s16;
	[sflag:s21] =	ssyncadd.s32 $0xFFFFAC00  }
0x5f: {  	[tilespmem:s22], [sflag:$0x5] =	stream.linear.gather [hbm4b:s16+s3], $0xA8, $0x38;
	[tilespmem:$0x1EC00] =	vst v63  }
0x60: {  	_ =	swait.ge [sflag:s0], $0xA8  }
0x61: {  	[sflag:s0] =	ssyncset.done $0x0  }
0x62: {  	[sflag:s0] =	ssyncadd.s32 $0xFFFFFF58  }
0x63: {  	[tilespmem:s24], [sflag:$0x1] =	stream.indirect.gather [hbm4b:s4+s23], $0x80, s3, s23, $0xb8;
	[tilespmem:$0x1EC00] =	vst v63  }
0x64: {  	_ =	swait.ge [sflag:s1], $0x5400  }
0x65: {  	[sflag:s1] =	ssyncset.done $0x0  }
0x66: {  	[sflag:s1] =	ssyncadd.s32 $0xFFFFAC00  }
0x67: {  	_ =	swait.ge [sflag:s7], $0xA8  }
0x68: {  	[sflag:s7] =	ssyncset.done $0x0  }
0x69: {  	s16 =	sadd.s32 s15, s19;
	[sflag:s7] =	ssyncadd.s32 $0xFFFFFF58  }
0x6a: {  	[tilespmem:s25], [sflag:$0x4] =	stream.linear.gather [hbm4b:s16+s3], $0xA8, $0x38;
	[tilespmem:$0x1EC00] =	vst v63  }
.Ltmp0:
0x6b: {  	(pc) =	sbr.rel @p0 .LBB2_2-.Ltmp0, $4  }
0x6c: {  	[spmem:s2] =	stream.indirect.scatter.add.f32 [tilespmem:s29], [sflag:$0x7], $0x80, s26, s23, $0xb8;
	[tilespmem:$0x1EC00] =	vst v63  }
0x6d: {  	_ =	swait.ge [sflag:s21], $0x5400  }
0x6e: {  	[sflag:s21] =	ssyncset.done $0x0  }
0x6f: {  	s14 =	sadd.s32 $0x150, s14;
	s15 =	sadd.s32 s15, s18;
	[sflag:s21] =	ssyncadd.s32 $0xFFFFAC00  }
0x70: {  	[tilespmem:s26], [sflag:$0x6] =	stream.linear.gather [hbm4b:s15+s3], $0xA8, $0x38;
	[tilespmem:$0x1EC00] =	vst v63  }
0x71: {  	_ =	swait.ge [sflag:s28], $0xA8  }
0x72: {  	[sflag:s28] =	ssyncset.done $0x0  }
0x73: {  	[sflag:s28] =	ssyncadd.s32 $0xFFFFFF58  }
0x74: {  	[tilespmem:s29], [sflag:$0x2] =	stream.indirect.gather [hbm4b:s4+s23], $0x80, s25, s23, $0xb8;
	[tilespmem:$0x1EC00] =	vst v63  }
0x75: {  	_ =	swait.ge [sflag:s30], $0x5400  }
0x76: {  	[sflag:s30] =	ssyncset.done $0x0  }
0x77: {  	[sflag:s30] =	ssyncadd.s32 $0xFFFFAC00  }
0x78: {  	_ =	swait.ge [sflag:s31], $0xA8  }
0x79: {  	[sflag:s31] =	ssyncset.done $0x0  }
0x7a: {  	s13 =	rddreg [dreg:$0x9];
	[sflag:s31] =	ssyncadd.s32 $0xFFFFFF58  }
0x7b: {  	[tilespmem:s3], [sflag:$0x3] =	stream.linear.gather [hbm4b:s13+s3], $0xA8, $0x38;
	[tilespmem:$0x1EC00] =	vst v63  }
0x7c: {  	_ = 	snop  }
0x7d: {  	[spmem:s2] =	stream.indirect.scatter.add.f32 [tilespmem:s24], [sflag:$0x7], $0x80, s22, s23, $0xb8;
	[tilespmem:$0x1EC00] =	vst v63  }
0x7e: {  	_ =	swait.ge [sflag:s21], $0x5400  }
0x7f: {  	[sflag:s21] =	ssyncset.done $0x0  }
0x80: {  	s15 =	rddreg [dreg:$0xa];
	[sflag:s21] =	ssyncadd.s32 $0xFFFFAC00  }
0x81: {  	[tilespmem:s22], [sflag:$0x5] =	stream.linear.gather [hbm4b:s15+s3], $0xA8, $0x38;
	[tilespmem:$0x1EC00] =	vst v63  }
0x82: {  	_ =	swait.ge [sflag:s0], $0xA8  }
0x83: {  	[sflag:s0] =	ssyncset.done $0x0  }
0x84: {  	[sflag:s0] =	ssyncadd.s32 $0xFFFFFF58  }
0x85: {  	[tilespmem:s24], [sflag:$0x1] =	stream.indirect.gather [hbm4b:s4+s23], $0x80, s3, s23, $0xb8;
	[tilespmem:$0x1EC00] =	vst v63  }
0x86: {  	_ =	swait.ge [sflag:s1], $0x5400  }
0x87: {  	[sflag:s1] =	ssyncset.done $0x0  }
0x88: {  	[sflag:s1] =	ssyncadd.s32 $0xFFFFAC00  }
0x89: {  	_ =	swait.ge [sflag:s7], $0xA8  }
0x8a: {  	[sflag:s7] =	ssyncset.done $0x0  }
0x8b: {  	[sflag:s7] =	ssyncadd.s32 $0xFFFFFF58  }
0x8c: {  	[tilespmem:s25], [sflag:$0x4] =	stream.linear.gather [hbm4b:s11+s3], $0xA8, $0x38;
	[tilespmem:$0x1EC00] =	vst v63  }
0x8d: {  	_ = 	snop  }
0x8e: {  	[spmem:s2] =	stream.indirect.scatter.add.f32 [tilespmem:s29], [sflag:$0x7], $0x80, s26, s23, $0xb8;
	[tilespmem:$0x1EC00] =	vst v63  }
0x8f: {  	_ =	swait.ge [sflag:s21], $0x5400  }
0x90: {  	[sflag:s21] =	ssyncset.done $0x0  }
0x91: {  	[sflag:s21] =	ssyncadd.s32 $0xFFFFAC00  }
0x92: {  	[tilespmem:s26], [sflag:$0x6] =	stream.linear.gather [hbm4b:s10+s3], $0xA8, $0x38;
	[tilespmem:$0x1EC00] =	vst v63  }
0x93: {  	_ =	swait.ge [sflag:s30], $0x5400  }
0x94: {  	[sflag:s30] =	ssyncset.done $0x0  }
0x95: {  	[sflag:s30] =	ssyncadd.s32 $0xFFFFAC00  }
0x96: {  	_ =	swait.ge [sflag:s31], $0xA8  }
0x97: {  	[sflag:s31] =	ssyncset.done $0x0  }
0x98: {  	[sflag:s31] =	ssyncadd.s32 $0xFFFFFF58  }
0x99: {  	[spmem:s2] =	stream.indirect.scatter.add.f32 [tilespmem:s24], [sflag:$0x7], $0x80, s22, s23, $0xb8;
	[tilespmem:$0x1EC00] =	vst v63  }
0x9a: {  	_ =	swait.ge [sflag:s21], $0x5400  }
0x9b: {  	[sflag:s21] =	ssyncset.done $0x0  }
0x9c: {  	[sflag:s21] =	ssyncadd.s32 $0xFFFFAC00  }
0x9d: {  	_ =	swait.ge [sflag:s28], $0xA8  }
0x9e: {  	[sflag:s28] =	ssyncset.done $0x0  }
0x9f: {  	[sflag:s28] =	ssyncadd.s32 $0xFFFFFF58  }
0xa0: {  	_ =	swait.ge [sflag:s7], $0xA8  }
0xa1: {  	[sflag:s7] =	ssyncset.done $0x0  }
0xa2: {  	[sflag:s7] =	ssyncadd.s32 $0xFFFFFF58  }
0xa3: {  	[bflag:$0x0] =	sbarrier.arrive $0xFFFF  }
0xa4: {  	s16 =	rddreg [dreg:$0x7]  }
0xa5: {  	[hbm:s16], [sflag:s9] =	dma.local [spmem:s12], $0x2800  }
0xa6: {  	_ =	swait.ge [sflag:s21], $0x2800  }
0xa7: {  	s8 =	sadd.s32 $0x1, s8;
	s17 =	rddreg [dreg:$0x8]  }
0xa8: {  	p0 =	sne.s32 s8, s17  }
.Ltmp1:
0xa9: {  	_ = 	snop;
	(pc) =	sbr.rel @p0 .LBB2_1-.Ltmp1, $3  }
0xaa: {  	_ =	sdelay $0x1  }
0xab: {  	[sflag:s21] =	ssyncset.done $0x0  }
0xac: {  	[sflag:s21] =	ssyncadd.s32 $0xFFFFD800  }
0xad: {  	_ =	sfence.sel $0x180000  }
0xae: {  	[bflag:$0x0] =	sbarrier.arrive $0xFFFF  }
0xaf: {  	_ =	strace $0x9000004D  }
0xb0: {  	s0 =	stileid.u32;
	[bflag:$0x2] =	sbarrier.arrive $0xFFFF  }
0xb1: {  	p0 =	sne.s32 s0, $0x0;
	s0 =	rddreg [dreg:$0x2]  }
0xb2: {  	s0 =	sadd.s32 @!p0 $0x100000, s0  }
0xb3: {  	[sflag:s0] =	ssyncadd.tile.s32 @!p0 $0x1;
	_ =	shalt  }
.Lfunc_end2:
_tile_overlayer_lowered:
.L_overlay_start_2:
0xb4: {  	(tag) =	ssettag $0x2  }
0xb5: {  	s0 =	rddreg [dreg:$0x0];
	s2 =	stileid.u32  }
0xb6: {  	s1 =	rddreg [dreg:$0x1];
	p0 =	sne.s32 s2, $0x0  }
0xb7: {  	s3 =	rddreg [dreg:$0x2];
	[bflag:$0x3] =	sbarrier.arrive $0xFFFF;
	s2 =	simm.s32 @!p0 $0x1C07  }
0xb8: {  	[timem:s3], [sflag:s2] =	dma.local @!p0 [hbm:s0], s1  }
0xb9: {  	s0 =	simm.s32 @!p0 $0x7  }
0xba: {  	_ =	swait.ge @!p0 [sflag:s0], s1  }
0xbb: {  	s1 =	ssub.s32 @!p0 $0x0, s1;
	[sflag:s0] =	ssyncset.done @!p0 $0x0  }
0xbc: {  	[sflag:s0] =	ssyncadd.s32 @!p0 s1  }
0xbd: {  	[bflag:$0x3] =	sbarrier.arrive $0xFFFF  }
0xbe: {  	_ =	shalt  }

// kernel: kernel.8.cloned.1.call-start
scs
__scs_entry_jumppad:
0x0: {  	(pc) =	sbr.rel $0x88, $3  }
0x1: {  	(tag) =	ssettag $0x0;
	lr =	simm.s32 $0x1  }
0x2: {  	[smem:$0x3F8E] =	sst lr;
	_ =	strace $0xD0000000  }
0x3: {  	_ = 	snop  }
0x4: {  	_ = 	snop  }
0x5: {  	_ = 	snop  }
0x6: {  	_ = 	snop  }
0x7: {  	_ = 	snop  }
__scs_overlays_trampoline_lowered:
0x8: {  	[smem:$0x3F9D] =	sst s0  }
0x9: {  	[smem:$0x3F9E] =	sst s1  }
0xa: {  	[smem:$0x3F9F] =	sst s2  }
0xb: {  	[smem:$0x3FA0] =	sst s3  }
0xc: {  	[smem:$0x3FA1] =	sst s4  }
0xd: {  	[smem:$0x3FA2] =	sst s5  }
0xe: {  	[smem:$0x3FA3] =	sst s6  }
0xf: {  	[smem:$0x3FA4] =	sst s7  }
0x10: {  	[smem:$0x3FA5] =	sst s8  }
0x11: {  	[smem:$0x3FA6] =	sst s9;
	s0 =	simm.s32 @!p0 $0x0  }
0x12: {  	s1 =	sld [smem:$0x3F8C];
	s0 =	simm.s32 @p0 $0x1  }
0x13: {  	[smem:$0x3FA7] =	sst s0;
	s0 =	simm.s32 @!p1 $0x0  }
0x14: {  	s2 =	sld [smem:$0x3F8B];
	s0 =	simm.s32 @p1 $0x1  }
0x15: {  	[smem:$0x3FA8] =	sst s0;
	s0 =	simm.s32 @!p2 $0x0  }
0x16: {  	s3 =	sld [smem:$0x3FDB];
	s0 =	simm.s32 @p2 $0x1  }
0x17: {  	s4 =	simm.s32 $0x1BF5;
	[smem:$0x3FAA] =	sst s0  }
0x18: {  	s0 =	sld [smem:$0x3F8D];
	_ =	swait.ge [sflag:s4], $0x0  }
0x19: {  	s7 =	sld [smem:$0x3F8E]  }
0x1a: {  	s8 =	sadd.s32 $0xFFFFE003, lr  }
0x1b: {  	s9 =	sadd.s32 $0xFFFFFEF7, lr;
	s5 =	simm.s32 $0xFFFFFFFF;
	p2 =	slt.u32 s8, $0xFFFFF086  }
0x1c: {  	p1 =	slt.u32 s9, $0xF7A;
	s5 =	simm.s32 @!p2 $0x0  }
0x1d: {  	s5 =	simm.s32 @p1 $0x1;
	p0 =	seq.s32 s7, s2  }
0x1e: {  	s7 =	smul.u32 @!p0 $0xF7A, s2;
	p2 =	seq.s32 @!p0 s5, $0x0  }
0x1f: {  	s9 =	smul.u32 $0xF7A, s1;
	s8 =	simm.s32 @!p0 $0x1BF5;
	p2 =	por !p2, p0  }
0x20: {  	[sflag:s8] =	ssyncset.s32 @!p0 $0xFFFFF086;
	s6 =	sadd.s32 @!p0 s3, s7;
	s7 =	simm.s32 @!p0 $0x108  }
0x21: {  	s3 =	sadd.s32 s3, s9;
	s6 =	sadd.s32 @!p0 $0x88, s6;
	s7 =	simm.s32 @p2 $0x1082  }
0x22: {  	[simem:s7], [sflag:s8] =	dma.local @!p0 [hbm:s6], $0xF7A  }
0x23: {  	s9 =	sor.u32 $0xD0000000, s2;
	s6 =	simm.s32 $0x108;
	_ =	swait.ge @!p0 [sflag:s8], $0x0  }
0x24: {  	s3 =	sadd.s32 $0x88, s3;
	s6 =	simm.s32 @!p1 $0x1082;
	[sflag:s4] =	ssyncset.s32 $0xFFFFF086  }
0x25: {  	[simem:s6], [sflag:s4] =	dma.local [hbm:s3], $0xF7A  }
0x26: {  	[smem:$0x3F8E] =	sst s1;
	(tag) =	ssettag s2;
	_ =	strace s9  }
0x27: {  	s1 =	sld [smem:$0x3F9E]  }
0x28: {  	s2 =	sld [smem:$0x3F9F]  }
0x29: {  	s4 =	sld [smem:$0x3FA1]  }
0x2a: {  	p0 =	seq.s32 s5, $0x0;
	s5 =	sld [smem:$0x3FA2]  }
0x2b: {  	s6 =	sld [smem:$0x3FA3]  }
0x2c: {  	s7 =	sld [smem:$0x3FA4]  }
0x2d: {  	s3 =	simm.s32 $0x108;
	s8 =	sld [smem:$0x3FA5]  }
0x2e: {  	s3 =	simm.s32 @!p0 $0x1082;
	s9 =	sld [smem:$0x3FA6]  }
0x2f: {  	lr =	sadd.s32 s0, s3;
	s0 =	sld [smem:$0x3F9D]  }
0x30: {  	s3 =	sld [smem:$0x3FA0]  }
0x31: {  	[smem:$0x3FA9] =	sst s10  }
0x32: {  	s10 =	sld [smem:$0x3FA7];
	_ =	sdelay $0x3  }
0x33: {  	p0 =	seq.s32 s10, $0x1;
	s10 =	sld [smem:$0x3FA9];
	_ =	sdelay $0x3  }
0x34: {  	[smem:$0x3FA9] =	sst s10  }
0x35: {  	s10 =	sld [smem:$0x3FA8];
	_ =	sdelay $0x3  }
0x36: {  	p1 =	seq.s32 s10, $0x1;
	s10 =	sld [smem:$0x3FA9];
	_ =	sdelay $0x3  }
0x37: {  	[smem:$0x3FA9] =	sst s10  }
0x38: {  	s10 =	sld [smem:$0x3FAA]  }
0x39: {  	_ = 	snop;
	(pc) =	sbr.ind lr, $3  }
0x3a: {  	_ = 	snop  }
0x3b: {  	_ = 	snop  }
0x3c: {  	p2 =	seq.s32 s10, $0x1;
	s10 =	sld [smem:$0x3FA9]  }
0x3d: {  	_ =	shalt  }
0x3e: {  	_ =	shalt  }
0x3f: {  	_ =	shalt  }
0x40: {  	_ =	shalt  }
0x41: {  	_ =	shalt  }
0x42: {  	_ =	shalt  }
0x43: {  	_ =	shalt  }
0x44: {  	_ =	shalt  }
0x45: {  	_ =	shalt  }
0x46: {  	_ =	shalt  }
0x47: {  	_ =	shalt  }
0x48: {  	_ =	shalt  }
0x49: {  	_ =	shalt  }
0x4a: {  	_ =	shalt  }
0x4b: {  	_ =	shalt  }
0x4c: {  	_ =	shalt  }
0x4d: {  	_ =	shalt  }
0x4e: {  	_ =	shalt  }
0x4f: {  	_ =	shalt  }
0x50: {  	_ =	shalt  }
0x51: {  	_ =	shalt  }
0x52: {  	_ =	shalt  }
0x53: {  	_ =	shalt  }
0x54: {  	_ =	shalt  }
0x55: {  	_ =	shalt  }
0x56: {  	_ =	shalt  }
0x57: {  	_ =	shalt  }
0x58: {  	_ =	shalt  }
0x59: {  	_ =	shalt  }
0x5a: {  	_ =	shalt  }
0x5b: {  	_ =	shalt  }
0x5c: {  	_ =	shalt  }
0x5d: {  	_ =	shalt  }
0x5e: {  	_ =	shalt  }
0x5f: {  	_ =	shalt  }
0x60: {  	_ =	shalt  }
0x61: {  	_ =	shalt  }
0x62: {  	_ =	shalt  }
0x63: {  	_ =	shalt  }
0x64: {  	_ =	shalt  }
0x65: {  	_ =	shalt  }
0x66: {  	_ =	shalt  }
0x67: {  	_ =	shalt  }
0x68: {  	_ =	shalt  }
0x69: {  	_ =	shalt  }
0x6a: {  	_ =	shalt  }
0x6b: {  	_ =	shalt  }
0x6c: {  	_ =	shalt  }
0x6d: {  	_ =	shalt  }
0x6e: {  	_ =	shalt  }
0x6f: {  	_ =	shalt  }
0x70: {  	_ =	shalt  }
0x71: {  	_ =	shalt  }
0x72: {  	_ =	shalt  }
0x73: {  	_ =	shalt  }
0x74: {  	_ =	shalt  }
0x75: {  	_ =	shalt  }
0x76: {  	_ =	shalt  }
0x77: {  	_ =	shalt  }
0x78: {  	_ =	shalt  }
0x79: {  	_ =	shalt  }
0x7a: {  	_ =	shalt  }
0x7b: {  	_ =	shalt  }
0x7c: {  	_ =	shalt  }
0x7d: {  	_ =	shalt  }
0x7e: {  	_ =	shalt  }
0x7f: {  	_ =	shalt  }
0x80: {  	_ =	shalt  }
0x81: {  	_ =	shalt  }
0x82: {  	_ =	shalt  }
0x83: {  	_ =	shalt  }
0x84: {  	_ =	shalt  }
0x85: {  	_ =	shalt  }
0x86: {  	_ =	shalt  }
0x87: {  	_ =	shalt  }
.Lfunc_end0:
.L_simem_size_0:
called_computation_lowered:
.L_overlay_start_0:
0x88: {  	s2 =	sld [smem:$0x3FD9]  }
0x89: {  	s3 =	sld [smem:$0x3FFE];
	_ =	sdelay $0x1  }
0x8a: {  	s1 =	srdreg.scid  }
0x8b: {  	s0 =	sand.u32 $0x1, s1  }
0x8c: {  	s14 =	sshll.u32 s0, $0xA;
	s2 =	sadd.s32 s3, s2  }
0x8d: {  	s2 =	sadd.s32 s2, s14  }
0x8e: {  	[smem:$0x3FB5] =	sst s2  }
0x8f: {  	_ = 	snop  }
0x90: {  	s2 =	sld [smem:$0x3FD0];
	_ =	sdelay $0x2  }
0x91: {  	s15 =	simm.s32 $0xA;
	s4 =	simm.s32 $0x10  }
0x92: {  	[smem:s4], [sflag:s15] =	dma.local [hbm:s2], $0x1  }
0x93: {  	_ =	swait.eq [sflag:s15], $0x1  }
0x94: {  	[sflag:s15] =	ssyncset.done $0x0  }
0x95: {  	[sflag:s15] =	ssyncadd.s32 $0xFFFFFFFF  }
0x96: {  	s16 =	sld [smem:$0x16];
	(tm) =	ssettm $0x1  }
0x97: {  	s17 =	sld [smem:$0x3FFB];
	_ =	sdelay $0x3  }
0x98: {  	_ =	strace s17  }
0x99: {  	s3 =	sld [smem:$0x3FFC];
	_ =	sdelay $0x3  }
0x9a: {  	_ =	strace s3  }
0x9b: {  	s3 =	sld [smem:$0x3FFD];
	_ =	sdelay $0x3  }
0x9c: {  	_ =	strace s3  }
0x9d: {  	_ =	strace $0x8FFFFFFF  }
0x9e: {  	s18 =	sld [smem:$0x3FDB];
	_ =	sdelay $0x1  }
0x9f: {  	s19 =	simm.s32 $_scs_section_size  }
0xa0: {  	s5 =	simm.s32 $_size__tile_overlayer_lowered;
	s6 =	simm.s32 $_tile_overlayer_lowered  }
0xa1: {  	s22 =	simm.s32 $0x1BFF;
	s21 =	sshll.u32 s6, $0x1;
	s3 =	sadd.s32 s19, s18  }
0xa2: {  	s7 =	simm.s32 $0x0;
	s20 =	sshll.u32 s5, $0x1;
	s5 =	sadd.s32 s21, s3  }
0xa3: {  	[timem:s7], [sflag:s22] =	dma.local [hbm:s5], s20  }
0xa4: {  	_ =	swait.ge [sflag:s22], s20  }
0xa5: {  	s4 =	ssub.s32 $0x0, s20;
	[sflag:s22] =	ssyncset.done $0x0  }
0xa6: {  	[sflag:s22] =	ssyncadd.s32 s4;
	_ =	sdelay $0x1  }
0xa7: {  	s23 =	simm.s32 $0x1B8B  }
0xa8: {  	_ =	swait.ge [sflag:s23], $0x1  }
0xa9: {  	[sflag:s23] =	ssyncset.done $0x0  }
0xaa: {  	s25 =	simm.s32 $0x1B8E;
	s24 =	sld [smem:$0x3FFE];
	[sflag:s23] =	ssyncadd.s32 $0xFFFFFFFF  }
0xab: {  	s26 =	simm.s32 $execute0_lowered;
	[smem:$0x3FD2] =	sst s25  }
0xac: {  	s5 =	sshll.u32 s26, $0x1;
	_ =	strace $0x80000046;
	[dreg:$0x1] =	wrdreg $0xFFFFFFFF  }
0xad: {  	s28 =	simm.s32 $_size_execute0_lowered;
	s3 =	sadd.s32 s3, s5;
	[dreg:$0x0] =	wrdreg $0x0  }
0xae: {  	s5 =	sshll.u32 s28, $0x1;
	[dreg:$0x2] =	wrdreg s3  }
0xaf: {  	[dreg:$0x3] =	wrdreg s5  }
0xb0: {  	[dreg:$0x4] =	wrdreg $0xC0  }
0xb1: {  	_ =	task [dreg:s7], $0x5FFFF  }
0xb2: {  	[dreg:$0x1] =	wrdreg $0xFFFFFFFF  }
0xb3: {  	[dreg:$0x0] =	wrdreg $0x60  }
0xb4: {  	[dreg:$0x2] =	wrdreg s24  }
0xb5: {  	[dreg:$0x3] =	wrdreg s16  }
0xb6: {  	[dreg:$0x4] =	wrdreg $0xC000  }
0xb7: {  	[dreg:$0x5] =	wrdreg $0x9  }
0xb8: {  	_ =	task.clear_ibuf [dreg:s7], $0x6FFFF;
	_ =	strace $0x90000046  }
0xb9: {  	s29 =	simm.s32 $0x9;
	_ =	strace $0x80000048  }
0xba: {  	_ =	swait.ge [sflag:s29], $0x1  }
0xbb: {  	[sflag:s29] =	ssyncadd.s32 $0xFFFFFFFF  }
0xbc: {  	_ =	strace $0x90000048  }
0xbd: {  	_ =	sfence  }
0xbe: {  	s30 =	sld [smem:$0x0];
	_ =	sdelay $0x2  }
0xbf: {  	s31 =	sshll.u32 s1, $0xD;
	s1 =	sshrl.u32 s1, $0x2  }
0xc0: {  	s3 =	sand.u32 $0x4000, s31;
	s1 =	sadd.s32 s1, s30  }
0xc1: {  	s0 =	sor.u32 s3, s0;
	s1 =	sshll.u32 s1, $0x11  }
0xc2: {  	s0 =	sor.u32 s1, s0  }
0xc3: {  	s0 =	sadd.s32 $0x8F2B, s0  }
0xc4: {  	[sflag:s0] =	ssyncadd.remote.s32 $0x1  }
0xc5: {  	_ =	sfence.sel $0xFFFF  }
0xc6: {  	[dreg:$0x0] =	wrdreg $0xFFFFFFFF;
	(pc) =	sbr.abs _section_cstart, $3  }
0xc7: {  	[dreg:$0x1] =	wrdreg $0xFFFFFFFF  }
0xc8: {  	_ =	task.clear_ibuf [dreg:s7], $0x2FFFF;
	_ =	strace $0x9FFFFFFF  }
0xc9: {  	(tm) =	ssettm $0x7FFFFFFF  }
tec
execute0_lowered:
.L_overlay_start_1:
0x0: {  	(tag) =	ssettag $0x1  }
0x1: {  	s18 =	rddreg [dreg:$0x0]  }
0x2: {  	s2 =	rddreg [dreg:$0x1]  }
0x3: {  	s0 =	stileid.u32;
	s3 =	rddreg [dreg:$0x2]  }
0x4: {  	s1 =	rddreg [dreg:$0x3];
	s4 =	simm.s32 $0x0;
	s5 =	smul.u32 $0x280, s0  }
0x5: {  	[smem:$0x7FF] =	sst s4  }
0x6: {  	s29 =	sshll.u32 s0, $0x6;
	s6 =	sshrl.u32 s5, $0x3;
	s7 =	sadd.s32 s5, s3  }
0x7: {  	_ =	strace $0x80000047;
	s6 =	sadd.s32 s6, s18;
	s8 =	sshrl.u32 s7, $0x3  }
0x8: {  	s7 =	simm.s32 $0x1;
	s5 =	sadd.s32 $0xE400, s6;
	s6 =	sor.u32 $0x1C01, s29  }
0x9: {  	[spmem:s8], [sflag:s6] =	dma.local [hbm:s5], $0x50  }
0xa: {  	s9 =	srdreg.scid;
	_ =	swait.ge [sflag:s7], $0x50  }
0xb: {  	s19 =	sand.u32 $0x1, s9;
	s30 =	sshll.u32 s0, $0x1;
	[sflag:s7] =	ssyncset.done $0x0  }
0xc: {  	s9 =	simm.s32 $0x600;
	s10 =	sor.u32 s19, s30;
	[sflag:s7] =	ssyncadd.s32 $0xFFFFFFB0  }
0xd: {  	[tilespmem:s9], [sflag:$0x1] =	stream.linear.gather [hbm4b:s2+s4], $0x600, $0x38;
	[tilespmem:$0xE80] =	vst v63  }
0xe: {  	s16 =	smul.u32 $0x2808, s10;
	_ =	swait.ge [sflag:s7], $0x600  }
0xf: {  	[sflag:s7] =	ssyncset.done $0x0  }
0x10: {  	s17 =	sadd.s32 $0x4200, s18;
	s10 =	sshrl.u32 s16, $0x3;
	[sflag:s7] =	ssyncadd.s32 $0xFFFFFA00  }
0x11: {  	s10 =	sadd.s32 s17, s10;
	[bflag:$0x0] =	sbarrier.arrive $0xFFFF  }
0x12: {  	[tilespmem:s4], [sflag:$0x1] =	stream.linear.gather [hbm4b:s10+s4], $0x5B8, $0x38;
	[tilespmem:$0xE80] =	vst v63  }
0x13: {  	_ =	swait.ge [sflag:s7], $0x5B8  }
0x14: {  	[sflag:s7] =	ssyncset.done $0x0  }
0x15: {  	s11 =	simm.s32 $0x5B8;
	[sflag:s7] =	ssyncadd.s32 $0xFFFFFA48  }
0x16: {  	[spmem:s3] =	stream.indirect.scatter.add.f32 [tilespmem:s9], [sflag:$0x1], $0x1, s4, s11, $0xb8;
	[tilespmem:$0xE80] =	vst v63  }
0x17: {  	s12 =	sadd.s32 $0x5B8, s16;
	_ =	swait.ge [sflag:s7], $0x5B8  }
0x18: {  	s12 =	sshrl.u32 s12, $0x3;
	[sflag:s7] =	ssyncset.done $0x0  }
0x19: {  	s12 =	sadd.s32 s17, s12;
	[sflag:s7] =	ssyncadd.s32 $0xFFFFFA48  }
0x1a: {  	[tilespmem:s4], [sflag:$0x1] =	stream.linear.gather [hbm4b:s12+s4], $0x5B8, $0x38;
	[tilespmem:$0xE80] =	vst v63  }
0x1b: {  	_ =	swait.ge [sflag:s7], $0x5B8  }
0x1c: {  	[sflag:s7] =	ssyncset.done $0x0  }
0x1d: {  	[sflag:s7] =	ssyncadd.s32 $0xFFFFFA48  }
0x1e: {  	[spmem:s3] =	stream.indirect.scatter.add.f32 [tilespmem:s9], [sflag:$0x1], $0x1, s4, s11, $0xb8;
	[tilespmem:$0xE80] =	vst v63  }
0x1f: {  	_ =	swait.ge [sflag:s7], $0x5B8  }
0x20: {  	[sflag:s7] =	ssyncset.done $0x0  }
0x21: {  	s13 =	sadd.s32 $0x16E, s10;
	[sflag:s7] =	ssyncadd.s32 $0xFFFFFA48  }
0x22: {  	[tilespmem:s4], [sflag:$0x1] =	stream.linear.gather [hbm4b:s13+s4], $0x5B8, $0x38;
	[tilespmem:$0xE80] =	vst v63  }
0x23: {  	_ =	swait.ge [sflag:s7], $0x5B8  }
0x24: {  	[sflag:s7] =	ssyncset.done $0x0  }
0x25: {  	[sflag:s7] =	ssyncadd.s32 $0xFFFFFA48  }
0x26: {  	[spmem:s3] =	stream.indirect.scatter.add.f32 [tilespmem:s9], [sflag:$0x1], $0x1, s4, s11, $0xb8;
	[tilespmem:$0xE80] =	vst v63  }
0x27: {  	s14 =	sadd.s32 $0x1128, s16;
	_ =	swait.ge [sflag:s7], $0x5B8  }
0x28: {  	s14 =	sshrl.u32 s14, $0x3;
	[sflag:s7] =	ssyncset.done $0x0  }
0x29: {  	s14 =	sadd.s32 s17, s14;
	[sflag:s7] =	ssyncadd.s32 $0xFFFFFA48  }
0x2a: {  	[tilespmem:s4], [sflag:$0x1] =	stream.linear.gather [hbm4b:s14+s4], $0x5B8, $0x38;
	[tilespmem:$0xE80] =	vst v63  }
0x2b: {  	_ =	swait.ge [sflag:s7], $0x5B8  }
0x2c: {  	[sflag:s7] =	ssyncset.done $0x0  }
0x2d: {  	[sflag:s7] =	ssyncadd.s32 $0xFFFFFA48  }
0x2e: {  	[spmem:s3] =	stream.indirect.scatter.add.f32 [tilespmem:s9], [sflag:$0x1], $0x1, s4, s11, $0xb8;
	[tilespmem:$0xE80] =	vst v63  }
0x2f: {  	_ =	swait.ge [sflag:s7], $0x5B8  }
0x30: {  	[sflag:s7] =	ssyncset.done $0x0  }
0x31: {  	s15 =	sadd.s32 $0x2DC, s10;
	[sflag:s7] =	ssyncadd.s32 $0xFFFFFA48  }
0x32: {  	[tilespmem:s4], [sflag:$0x1] =	stream.linear.gather [hbm4b:s15+s4], $0x5B8, $0x38;
	[tilespmem:$0xE80] =	vst v63  }
0x33: {  	_ =	swait.ge [sflag:s7], $0x5B8  }
0x34: {  	[sflag:s7] =	ssyncset.done $0x0  }
0x35: {  	[sflag:s7] =	ssyncadd.s32 $0xFFFFFA48  }
0x36: {  	[spmem:s3] =	stream.indirect.scatter.add.f32 [tilespmem:s9], [sflag:$0x1], $0x1, s4, s11, $0xb8;
	[tilespmem:$0xE80] =	vst v63  }
0x37: {  	s16 =	sadd.s32 $0x1C98, s16;
	_ =	swait.ge [sflag:s7], $0x5B8  }
0x38: {  	s16 =	sshrl.u32 s16, $0x3;
	[sflag:s7] =	ssyncset.done $0x0  }
0x39: {  	s16 =	sadd.s32 s17, s16;
	[sflag:s7] =	ssyncadd.s32 $0xFFFFFA48  }
0x3a: {  	[tilespmem:s4], [sflag:$0x1] =	stream.linear.gather [hbm4b:s16+s4], $0x5B8, $0x38;
	[tilespmem:$0xE80] =	vst v63  }
0x3b: {  	_ =	swait.ge [sflag:s7], $0x5B8  }
0x3c: {  	[sflag:s7] =	ssyncset.done $0x0  }
0x3d: {  	[sflag:s7] =	ssyncadd.s32 $0xFFFFFA48  }
0x3e: {  	[spmem:s3] =	stream.indirect.scatter.add.f32 [tilespmem:s9], [sflag:$0x1], $0x1, s4, s11, $0xb8;
	[tilespmem:$0xE80] =	vst v63  }
0x3f: {  	_ =	swait.ge [sflag:s7], $0x5B8  }
0x40: {  	[sflag:s7] =	ssyncset.done $0x0  }
0x41: {  	s20 =	smul.u32 $0x500, s0;
	s17 =	sadd.s32 $0x44A, s10;
	[sflag:s7] =	ssyncadd.s32 $0xFFFFFA48  }
0x42: {  	[tilespmem:s4], [sflag:$0x1] =	stream.linear.gather [hbm4b:s17+s4], $0x5B8, $0x38;
	[tilespmem:$0xE80] =	vst v63  }
0x43: {  	s21 =	sshll.u32 s19, $0x7;
	s19 =	ssub.s32 $0x2, s19;
	_ =	swait.ge [sflag:s7], $0x5B8  }
0x44: {  	s31 =	sshrl.u32 s19, $0x1;
	[sflag:s7] =	ssyncset.done $0x0  }
0x45: {  	s20 =	sor.u32 s21, s20;
	s19 =	ssub.s32 s19, s31;
	[sflag:s7] =	ssyncadd.s32 $0xFFFFFA48  }
0x46: {  	[spmem:s3] =	stream.indirect.scatter.add.f32 [tilespmem:s9], [sflag:$0x1], $0x1, s4, s11, $0xb8;
	[tilespmem:$0xE80] =	vst v63  }
0x47: {  	s20 =	sshrl.u32 s20, $0x3;
	s21 =	smax.u32 s19, $0x1;
	_ =	swait.ge [sflag:s7], $0x5B8  }
0x48: {  	s18 =	sadd.s32 s20, s18;
	p0 =	sne.s32 s21, $0x1;
	[sflag:s7] =	ssyncset.done $0x0  }
.Ltmp0:
0x49: {  	s19 =	simm.s32 $0x20;
	[sflag:s7] =	ssyncadd.s32 $0xFFFFFA48;
	(pc) =	sbr.rel @!p0 .LBB2_2-.Ltmp0, $4  }
0x4a: {  	s20 =	simm.s32 $0x10;
	s18 =	sadd.s32 $0xEA00, s18;
	[bflag:$0x0] =	sbarrier.arrive $0xFFFF  }
0x4b: {  	[hbm:s18@s19], [sflag:s6] =	dma.strided [spmem:s8@s20], $0x50, s7, $0x10   }
0x4c: {  	_ =	swait.ge [sflag:s7], $0x50  }
0x4d: {  	s21 =	sadd.s32 $0xFFFFFFFF, s21;
	[sflag:s7] =	ssyncset.done $0x0  }
.LBB2_1:
0x4e: {  	p0 =	sne.s32 s21, $0x1;
	s21 =	sadd.s32 $0xFFFFFFFF, s21;
	[sflag:s7] =	ssyncadd.s32 $0xFFFFFFB0  }
0x4f: {  	[spmem:s8], [sflag:s6] =	dma.local [hbm:s5], $0x50  }
0x50: {  	_ =	swait.ge [sflag:s7], $0x50  }
0x51: {  	[sflag:s7] =	ssyncset.done $0x0  }
0x52: {  	[sflag:s7] =	ssyncadd.s32 $0xFFFFFFB0  }
0x53: {  	[tilespmem:s9], [sflag:$0x1] =	stream.linear.gather [hbm4b:s2+s4], $0x600, $0x38;
	[tilespmem:$0xE80] =	vst v63  }
0x54: {  	_ =	swait.ge [sflag:s7], $0x600  }
0x55: {  	[sflag:s7] =	ssyncset.done $0x0  }
0x56: {  	[sflag:s7] =	ssyncadd.s32 $0xFFFFFA00  }
0x57: {  	[bflag:$0x0] =	sbarrier.arrive $0xFFFF  }
0x58: {  	[tilespmem:s4], [sflag:$0x1] =	stream.linear.gather [hbm4b:s10+s4], $0x5B8, $0x38;
	[tilespmem:$0xE80] =	vst v63  }
0x59: {  	_ =	swait.ge [sflag:s7], $0x5B8  }
0x5a: {  	[sflag:s7] =	ssyncset.done $0x0  }
0x5b: {  	[sflag:s7] =	ssyncadd.s32 $0xFFFFFA48  }
0x5c: {  	[spmem:s3] =	stream.indirect.scatter.add.f32 [tilespmem:s9], [sflag:$0x1], $0x1, s4, s11, $0xb8;
	[tilespmem:$0xE80] =	vst v63  }
0x5d: {  	_ =	swait.ge [sflag:s7], $0x5B8  }
0x5e: {  	[sflag:s7] =	ssyncset.done $0x0  }
0x5f: {  	[sflag:s7] =	ssyncadd.s32 $0xFFFFFA48  }
0x60: {  	[tilespmem:s4], [sflag:$0x1] =	stream.linear.gather [hbm4b:s12+s4], $0x5B8, $0x38;
	[tilespmem:$0xE80] =	vst v63  }
0x61: {  	_ =	swait.ge [sflag:s7], $0x5B8  }
0x62: {  	[sflag:s7] =	ssyncset.done $0x0  }
0x63: {  	[sflag:s7] =	ssyncadd.s32 $0xFFFFFA48  }
0x64: {  	[spmem:s3] =	stream.indirect.scatter.add.f32 [tilespmem:s9], [sflag:$0x1], $0x1, s4, s11, $0xb8;
	[tilespmem:$0xE80] =	vst v63  }
0x65: {  	_ =	swait.ge [sflag:s7], $0x5B8  }
0x66: {  	[sflag:s7] =	ssyncset.done $0x0  }
0x67: {  	[sflag:s7] =	ssyncadd.s32 $0xFFFFFA48  }
0x68: {  	[tilespmem:s4], [sflag:$0x1] =	stream.linear.gather [hbm4b:s13+s4], $0x5B8, $0x38;
	[tilespmem:$0xE80] =	vst v63  }
0x69: {  	_ =	swait.ge [sflag:s7], $0x5B8  }
0x6a: {  	[sflag:s7] =	ssyncset.done $0x0  }
0x6b: {  	[sflag:s7] =	ssyncadd.s32 $0xFFFFFA48  }
0x6c: {  	[spmem:s3] =	stream.indirect.scatter.add.f32 [tilespmem:s9], [sflag:$0x1], $0x1, s4, s11, $0xb8;
	[tilespmem:$0xE80] =	vst v63  }
0x6d: {  	_ =	swait.ge [sflag:s7], $0x5B8  }
0x6e: {  	[sflag:s7] =	ssyncset.done $0x0  }
0x6f: {  	[sflag:s7] =	ssyncadd.s32 $0xFFFFFA48  }
0x70: {  	[tilespmem:s4], [sflag:$0x1] =	stream.linear.gather [hbm4b:s14+s4], $0x5B8, $0x38;
	[tilespmem:$0xE80] =	vst v63  }
0x71: {  	_ =	swait.ge [sflag:s7], $0x5B8  }
0x72: {  	[sflag:s7] =	ssyncset.done $0x0  }
0x73: {  	[sflag:s7] =	ssyncadd.s32 $0xFFFFFA48  }
0x74: {  	[spmem:s3] =	stream.indirect.scatter.add.f32 [tilespmem:s9], [sflag:$0x1], $0x1, s4, s11, $0xb8;
	[tilespmem:$0xE80] =	vst v63  }
0x75: {  	_ =	swait.ge [sflag:s7], $0x5B8  }
0x76: {  	[sflag:s7] =	ssyncset.done $0x0  }
0x77: {  	[sflag:s7] =	ssyncadd.s32 $0xFFFFFA48  }
0x78: {  	[tilespmem:s4], [sflag:$0x1] =	stream.linear.gather [hbm4b:s15+s4], $0x5B8, $0x38;
	[tilespmem:$0xE80] =	vst v63  }
0x79: {  	_ =	swait.ge [sflag:s7], $0x5B8  }
0x7a: {  	[sflag:s7] =	ssyncset.done $0x0  }
0x7b: {  	[sflag:s7] =	ssyncadd.s32 $0xFFFFFA48  }
0x7c: {  	[spmem:s3] =	stream.indirect.scatter.add.f32 [tilespmem:s9], [sflag:$0x1], $0x1, s4, s11, $0xb8;
	[tilespmem:$0xE80] =	vst v63  }
0x7d: {  	_ =	swait.ge [sflag:s7], $0x5B8  }
0x7e: {  	[sflag:s7] =	ssyncset.done $0x0  }
0x7f: {  	[sflag:s7] =	ssyncadd.s32 $0xFFFFFA48  }
0x80: {  	[tilespmem:s4], [sflag:$0x1] =	stream.linear.gather [hbm4b:s16+s4], $0x5B8, $0x38;
	[tilespmem:$0xE80] =	vst v63  }
0x81: {  	_ =	swait.ge [sflag:s7], $0x5B8  }
0x82: {  	[sflag:s7] =	ssyncset.done $0x0  }
0x83: {  	[sflag:s7] =	ssyncadd.s32 $0xFFFFFA48  }
0x84: {  	[spmem:s3] =	stream.indirect.scatter.add.f32 [tilespmem:s9], [sflag:$0x1], $0x1, s4, s11, $0xb8;
	[tilespmem:$0xE80] =	vst v63  }
0x85: {  	_ =	swait.ge [sflag:s7], $0x5B8  }
0x86: {  	[sflag:s7] =	ssyncset.done $0x0  }
0x87: {  	[sflag:s7] =	ssyncadd.s32 $0xFFFFFA48  }
0x88: {  	[tilespmem:s4], [sflag:$0x1] =	stream.linear.gather [hbm4b:s17+s4], $0x5B8, $0x38;
	[tilespmem:$0xE80] =	vst v63  }
0x89: {  	_ =	swait.ge [sflag:s7], $0x5B8  }
0x8a: {  	[sflag:s7] =	ssyncset.done $0x0  }
0x8b: {  	[sflag:s7] =	ssyncadd.s32 $0xFFFFFA48  }
0x8c: {  	[spmem:s3] =	stream.indirect.scatter.add.f32 [tilespmem:s9], [sflag:$0x1], $0x1, s4, s11, $0xb8;
	[tilespmem:$0xE80] =	vst v63  }
0x8d: {  	_ =	swait.ge [sflag:s7], $0x5B8  }
0x8e: {  	[sflag:s7] =	ssyncset.done $0x0  }
.Ltmp1:
0x8f: {  	[sflag:s7] =	ssyncadd.s32 $0xFFFFFA48;
	(pc) =	sbr.rel @p0 .LBB2_1-.Ltmp1, $4  }
0x90: {  	[bflag:$0x0] =	sbarrier.arrive $0xFFFF  }
0x91: {  	[hbm:s18@s19], [sflag:s6] =	dma.strided [spmem:s8@s20], $0x50, s7, $0x10   }
0x92: {  	_ =	swait.ge [sflag:s7], $0x50  }
0x93: {  	[sflag:s7] =	ssyncset.done $0x0  }
.LBB2_2:
0x94: {  	[sflag:s7] =	ssyncadd.s32 $0xFFFFFFB0  }
0x95: {  	_ =	sfence.sel $0x180000  }
0x96: {  	[bflag:$0x0] =	sbarrier.arrive $0xFFFF  }
0x97: {  	p0 =	sne.s32 s0, $0x0;
	_ =	strace $0x90000047  }
0x98: {  	s0 =	sadd.s32 @!p0 $0x100000, s1;
	[bflag:$0x2] =	sbarrier.arrive $0xFFFF  }
0x99: {  	[sflag:s0] =	ssyncadd.tile.s32 @!p0 $0x1;
	_ =	shalt  }
.Lfunc_end2:
_tile_overlayer_lowered:
.L_overlay_start_2:
0x9a: {  	(tag) =	ssettag $0x2  }
0x9b: {  	s0 =	rddreg [dreg:$0x0];
	s2 =	stileid.u32  }
0x9c: {  	s1 =	rddreg [dreg:$0x1];
	p0 =	sne.s32 s2, $0x0  }
0x9d: {  	s3 =	rddreg [dreg:$0x2];
	[bflag:$0x3] =	sbarrier.arrive $0xFFFF;
	s2 =	simm.s32 @!p0 $0x1C01  }
0x9e: {  	[timem:s3], [sflag:s2] =	dma.local @!p0 [hbm:s0], s1  }
0x9f: {  	s0 =	simm.s32 @!p0 $0x1  }
0xa0: {  	_ =	swait.ge @!p0 [sflag:s0], s1  }
0xa1: {  	s1 =	ssub.s32 @!p0 $0x0, s1;
	[sflag:s0] =	ssyncset.done @!p0 $0x0  }
0xa2: {  	[sflag:s0] =	ssyncadd.s32 @!p0 s1  }
0xa3: {  	[bflag:$0x3] =	sbarrier.arrive $0xFFFF  }
0xa4: {  	_ =	shalt  }

</sc_bundles>
